<compile_context>
chip_gen: v7x
topology: tpu7x:2x2x1
jax: 0.10.2.dev20260603
libtpu: 0.0.44.dev20260713+nightly
codegen_flags: <defaults>
</compile_context>

<pallas_src>
import jax
import jax.numpy as jnp
from jax.experimental import pallas as pl
from jax.experimental.pallas import tpu as pltpu

_TN = 512
_NC = 8


def _chamfer_tc_kernel(pred_ref, gs_ref, out_ref, d2_acc, s1_acc, s2_acc):
    b = pl.program_id(0)
    t = pl.program_id(1)
    nb = pl.num_programs(0)
    nt = pl.num_programs(1)

    p = pred_ref[0]
    gs = gs_ref[0]

    a2 = jnp.sum(p * p, axis=1, keepdims=True)
    b2 = 0.25 * jnp.sum(gs * gs, axis=0, keepdims=True)
    pb = p.astype(jnp.bfloat16)
    gsb = gs.astype(jnp.bfloat16)

    @pl.when((b == 0) & (t == 0))
    def _init_sums():
        s1_acc[...] = jnp.zeros_like(s1_acc)
        s2_acc[...] = jnp.zeros_like(s2_acc)

    @pl.when(t == 0)
    def _init_colmin():
        d2_acc[...] = jnp.full_like(d2_acc, jnp.inf)

    M = gs.shape[1]
    cb = M // _NC
    rm_acc = None
    col_mins = []
    for c in range(_NC):
        lo, hi = c * cb, (c + 1) * cb
        ab2 = jax.lax.dot_general(
            pb, gsb[:, lo:hi],
            (((1,), (0,)), ((), ())),
            preferred_element_type=jnp.float32,
        )
        v = ab2 + b2[:, lo:hi]
        for k in range(cb // 128):
            vk = v[:, k * 128:(k + 1) * 128]
            rm_acc = vk if rm_acc is None else jnp.minimum(rm_acc, vk)
        col_mins.append(jnp.min(ab2 + a2, axis=0, keepdims=True))

    row_min = jnp.min(rm_acc, axis=1, keepdims=True)
    dist1 = jnp.maximum(row_min + a2, 0.0)
    s1_acc[...] += jnp.sum(dist1, keepdims=True)

    col_min = jnp.concatenate(col_mins, axis=1)
    d2_acc[...] = jnp.minimum(d2_acc[...], col_min)

    @pl.when(t == nt - 1)
    def _fold_batch():
        dist2 = jnp.maximum(d2_acc[...] + b2, 0.0)
        s2_acc[...] += jnp.sum(dist2, keepdims=True)

    @pl.when((b == nb - 1) & (t == nt - 1))
    def _emit():
        n_total = nb * nt * _TN
        m_total = d2_acc.shape[1] * nb
        out_ref[...] = (s1_acc[...] / n_total) + (s2_acc[...] / m_total)


def kernel(pred, gt):
    io = jnp.argsort(pred[:, :, 0], axis=1)
    jo = jnp.argsort(gt[:, :, 0], axis=1)
    pred = jnp.take_along_axis(pred, io[:, :, None], axis=1)
    gt = jnp.take_along_axis(gt, jo[:, :, None], axis=1)
    B, N, _ = pred.shape
    M = gt.shape[1]
    gs = -2.0 * jnp.swapaxes(gt, 1, 2)
    nt = N // _TN

    out = pl.pallas_call(
        _chamfer_tc_kernel,
        grid=(B, nt),
        in_specs=[
            pl.BlockSpec((1, _TN, 3), lambda b, t: (b, t, 0)),
            pl.BlockSpec((1, 3, M), lambda b, t: (b, 0, 0)),
        ],
        out_specs=pl.BlockSpec((1, 1), lambda b, t: (0, 0)),
        out_shape=jax.ShapeDtypeStruct((1, 1), jnp.float32),
        scratch_shapes=[
            pltpu.VMEM((1, M), jnp.float32),
            pltpu.VMEM((1, 1), jnp.float32),
            pltpu.VMEM((1, 1), jnp.float32),
        ],
    )(pred, gs)
    return out[0, 0]

# --- scband reference (transcript-rebuilt; emitter-appended) ---
"""Pipeline reference for scband-chamfer-loss-40810779247121 (READ-ONLY COPY).

The authoritative reference and input builder live on the scoring server;
editing this copy changes nothing except your own understanding.
"""

import jax, jax.numpy as jnp
import numpy as np


def setup_inputs(seed: int = 0) -> dict:
    key = jax.random.key(seed)
    k1, k2 = jax.random.split(key)
    pred = jax.random.normal(k1, (4, 4096, 3), dtype=jnp.float32)
    gt = jax.random.normal(k2, (4, 4096, 3), dtype=jnp.float32)
    return {"pred": pred, "gt": gt}


def _pairwise_sqdist(a, b):
    # a: [B, N, 3], b: [B, M, 3] -> [B, N, M] squared euclidean distances
    a2 = jnp.sum(a * a, axis=-1)  # [B, N]
    b2 = jnp.sum(b * b, axis=-1)  # [B, M]
    ab = jnp.einsum("bnd,bmd->bnm", a, b)  # [B, N, M]
    d = a2[:, :, None] + b2[:, None, :] - 2.0 * ab
    return jnp.maximum(d, 0.0)


def reference(pred, gt):
    # ChamferDistance: dist1[b,i] = min_j ||pred[b,i] - gt[b,j]||^2
    #                  dist2[b,j] = min_i ||pred[b,i] - gt[b,j]||^2
    d = _pairwise_sqdist(pred, gt)  # [B, N, M]
    dist1 = jnp.min(d, axis=2)  # [B, N] nearest gt for each pred point
    dist2 = jnp.min(d, axis=1)  # [B, M] nearest pred for each gt point
    loss = jnp.mean(dist1) + jnp.mean(dist2)
    return loss

if __name__ == "__main__":
    import jax
    _d = setup_inputs()
    print(jax.jit(kernel)(*tuple(_d.values())))

</pallas_src>

<mosaic_0001>
module attributes {stable_mosaic.version = 14 : i64} {
  func.func @_chamfer_tc_kernel(%arg0: i32, %arg1: i32, %arg2: memref<1x512x3xf32, #tpu.memory_space<vmem>>, %arg3: memref<1x3x4096xf32, #tpu.memory_space<vmem>>, %arg4: memref<1x1xf32, #tpu.memory_space<vmem>>, %arg5: memref<1x4096xf32, #tpu.memory_space<vmem>>, %arg6: memref<1x1xf32, #tpu.memory_space<vmem>>, %arg7: memref<1x1xf32, #tpu.memory_space<vmem>>) attributes {dimension_semantics = [#tpu.dimension_semantics<arbitrary>, #tpu.dimension_semantics<arbitrary>], iteration_bounds = array<i64: 4, 8>, scalar_prefetch = 0 : i64, scratch_operands = 3 : i64, tpu.core_type = #tpu.core_type<tc>, window_params = [{transform_indices = @transform_0, window_bounds = array<i64: 1, 512, 3>}, {transform_indices = @transform_1, window_bounds = array<i64: 1, 3, 4096>}, {pipeline_mode = #tpu.pipeline_mode<synchronous>, transform_indices = @transform_2, window_bounds = array<i64: 1, 1>}]} {
    %get3A = arith.constant 0 : index
    %get3A_0 = arith.constant 0 : index
    %get3A_1 = arith.constant 0 : index
    %get3A_2 = vector.load %arg2[%get3A, %get3A_0, %get3A_1] : memref<1x512x3xf32, #tpu.memory_space<vmem>>, vector<1x512x3xf32>
    %get3A_3 = vector.shape_cast %get3A_2 : vector<1x512x3xf32> to vector<512x3xf32>
    %get3A_4 = arith.constant 0 : index
    %get3A_5 = arith.constant 0 : index
    %get3A_6 = arith.constant 0 : index
    %get3A_7 = vector.load %arg3[%get3A_4, %get3A_5, %get3A_6] : memref<1x3x4096xf32, #tpu.memory_space<vmem>>, vector<1x3x4096xf32>
    %get3A_8 = vector.shape_cast %get3A_7 : vector<1x3x4096xf32> to vector<3x4096xf32>
    %mul3A = arith.mulf %get3A_3, %get3A_3 : vector<512x3xf32>
    %reduce_sum3A = arith.constant dense<0.000000e+00> : vector<512xf32>
    %reduce_sum3A_9 = vector.multi_reduction <add>, %mul3A, %reduce_sum3A [1] : vector<512x3xf32> to vector<512xf32>
    %broadcast_in_dim3A = vector.shape_cast %reduce_sum3A_9 : vector<512xf32> to vector<512x1xf32>
    %mul3A_10 = arith.mulf %get3A_8, %get3A_8 : vector<3x4096xf32>
    %reduce_sum3A_11 = arith.constant dense<0.000000e+00> : vector<4096xf32>
    %reduce_sum3A_12 = vector.multi_reduction <add>, %mul3A_10, %reduce_sum3A_11 [0] : vector<3x4096xf32> to vector<4096xf32>
    %broadcast_in_dim3A_13 = vector.shape_cast %reduce_sum3A_12 : vector<4096xf32> to vector<1x4096xf32>
    %mul3A_14 = arith.constant 2.500000e-01 : f32
    %mul3A_15 = vector.broadcast %mul3A_14 : f32 to vector<1x4096xf32>
    %mul3A_16 = arith.mulf %mul3A_15, %broadcast_in_dim3A_13 : vector<1x4096xf32>
    %convert_element_type3A = arith.truncf %get3A_3 : vector<512x3xf32> to vector<512x3xbf16>
    %convert_element_type3A_17 = arith.truncf %get3A_8 : vector<3x4096xf32> to vector<3x4096xbf16>
    %eq3A = arith.constant 0 : i32
    %eq3A_18 = arith.cmpi eq, %arg0, %eq3A : i32
    %eq3A_19 = arith.constant 0 : i32
    %eq3A_20 = arith.cmpi eq, %arg1, %eq3A_19 : i32
    %and3A = arith.andi %eq3A_18, %eq3A_20 : i1
    %convert_element_type3A_21 = arith.extui %and3A : i1 to i32
    %cond3A = arith.constant 0 : i32
    %cond3A_22 = arith.cmpi ne, %convert_element_type3A_21, %cond3A : i32
    scf.if %cond3A_22 {
      %broadcast_in_dim3A_212 = arith.constant 0.000000e+00 : f32
      %broadcast_in_dim3A_213 = vector.broadcast %broadcast_in_dim3A_212 : f32 to vector<1x1xf32>
      %swap3A_214 = arith.constant 0 : index
      %swap3A_215 = arith.constant 0 : index
      %swap3A_216 = vector.load %arg6[%swap3A_214, %swap3A_215] : memref<1x1xf32, #tpu.memory_space<vmem>>, vector<1x1xf32>
      tpu.vector_store %arg6[%swap3A_214, %swap3A_215], %broadcast_in_dim3A_213 {strides = array<i32>} : memref<1x1xf32, #tpu.memory_space<vmem>>, vector<1x1xf32>,
      %broadcast_in_dim3A_217 = arith.constant 0.000000e+00 : f32
      %broadcast_in_dim3A_218 = vector.broadcast %broadcast_in_dim3A_217 : f32 to vector<1x1xf32>
      %swap3A_219 = arith.constant 0 : index
      %swap3A_220 = arith.constant 0 : index
      %swap3A_221 = vector.load %arg7[%swap3A_219, %swap3A_220] : memref<1x1xf32, #tpu.memory_space<vmem>>, vector<1x1xf32>
      tpu.vector_store %arg7[%swap3A_219, %swap3A_220], %broadcast_in_dim3A_218 {strides = array<i32>} : memref<1x1xf32, #tpu.memory_space<vmem>>, vector<1x1xf32>,
    } else {
    }
    %eq3A_23 = arith.constant 0 : i32
    %eq3A_24 = arith.cmpi eq, %arg1, %eq3A_23 : i32
    %convert_element_type3A_25 = arith.extui %eq3A_24 : i1 to i32
    %cond3A_26 = arith.constant 0 : i32
    %cond3A_27 = arith.cmpi ne, %convert_element_type3A_25, %cond3A_26 : i32
    scf.if %cond3A_27 {
      %broadcast_in_dim3A_212 = arith.constant 0x7F800000 : f32
      %broadcast_in_dim3A_213 = vector.broadcast %broadcast_in_dim3A_212 : f32 to vector<1x4096xf32>
      %swap3A_214 = arith.constant 0 : index
      %swap3A_215 = arith.constant 0 : index
      %swap3A_216 = vector.load %arg5[%swap3A_214, %swap3A_215] : memref<1x4096xf32, #tpu.memory_space<vmem>>, vector<1x4096xf32>
      tpu.vector_store %arg5[%swap3A_214, %swap3A_215], %broadcast_in_dim3A_213 {strides = array<i32>} : memref<1x4096xf32, #tpu.memory_space<vmem>>, vector<1x4096xf32>,
    } else {
    }
    %slice3A = vector.extract_strided_slice %convert_element_type3A_17 {offsets = [0, 0], sizes = [3, 512], strides = [1, 1]} : vector<3x4096xbf16> to vector<3x512xbf16>
    %dot_general3A = arith.constant dense<0.000000e+00> : vector<512x512xf32>
    %dot_general3A_28 = tpu.matmul %convert_element_type3A, %slice3A, %dot_general3A {dimension_numbers = #tpu.dot_dimension_numbers<[1], [0], [0], [1], [0, 0, 1, 1], [], []>, transpose_lhs_hint = false} : vector<512x3xbf16>, vector<3x512xbf16>, vector<512x512xf32> -> vector<512x512xf32>
    %slice3A_29 = vector.extract_strided_slice %mul3A_16 {offsets = [0, 0], sizes = [1, 512], strides = [1, 1]} : vector<1x4096xf32> to vector<1x512xf32>
    %add3A = vector.broadcast %slice3A_29 : vector<1x512xf32> to vector<512x512xf32>
    %add3A_30 = arith.addf %dot_general3A_28, %add3A : vector<512x512xf32>
    %slice3A_31 = vector.extract_strided_slice %add3A_30 {offsets = [0, 0], sizes = [512, 128], strides = [1, 1]} : vector<512x512xf32> to vector<512x128xf32>
    %slice3A_32 = vector.extract_strided_slice %add3A_30 {offsets = [0, 128], sizes = [512, 128], strides = [1, 1]} : vector<512x512xf32> to vector<512x128xf32>
    %min3A = arith.minimumf %slice3A_31, %slice3A_32 : vector<512x128xf32>
    %slice3A_33 = vector.extract_strided_slice %add3A_30 {offsets = [0, 256], sizes = [512, 128], strides = [1, 1]} : vector<512x512xf32> to vector<512x128xf32>
    %min3A_34 = arith.minimumf %min3A, %slice3A_33 : vector<512x128xf32>
    %slice3A_35 = vector.extract_strided_slice %add3A_30 {offsets = [0, 384], sizes = [512, 128], strides = [1, 1]} : vector<512x512xf32> to vector<512x128xf32>
    %min3A_36 = arith.minimumf %min3A_34, %slice3A_35 : vector<512x128xf32>
    %add3A_37 = vector.broadcast %broadcast_in_dim3A : vector<512x1xf32> to vector<512x512xf32>
    %add3A_38 = arith.addf %dot_general3A_28, %add3A_37 : vector<512x512xf32>
    %reduce_min3A = arith.constant dense<0x7F800000> : vector<512xf32>
    %reduce_min3A_39 = vector.multi_reduction <minimumf>, %add3A_38, %reduce_min3A [0] : vector<512x512xf32> to vector<512xf32>
    %broadcast_in_dim3A_40 = vector.shape_cast %reduce_min3A_39 : vector<512xf32> to vector<1x512xf32>
    %slice3A_41 = vector.extract_strided_slice %convert_element_type3A_17 {offsets = [0, 512], sizes = [3, 512], strides = [1, 1]} : vector<3x4096xbf16> to vector<3x512xbf16>
    %dot_general3A_42 = arith.constant dense<0.000000e+00> : vector<512x512xf32>
    %dot_general3A_43 = tpu.matmul %convert_element_type3A, %slice3A_41, %dot_general3A_42 {dimension_numbers = #tpu.dot_dimension_numbers<[1], [0], [0], [1], [0, 0, 1, 1], [], []>, transpose_lhs_hint = false} : vector<512x3xbf16>, vector<3x512xbf16>, vector<512x512xf32> -> vector<512x512xf32>
    %slice3A_44 = vector.extract_strided_slice %mul3A_16 {offsets = [0, 512], sizes = [1, 512], strides = [1, 1]} : vector<1x4096xf32> to vector<1x512xf32>
    %add3A_45 = vector.broadcast %slice3A_44 : vector<1x512xf32> to vector<512x512xf32>
    %add3A_46 = arith.addf %dot_general3A_43, %add3A_45 : vector<512x512xf32>
    %slice3A_47 = vector.extract_strided_slice %add3A_46 {offsets = [0, 0], sizes = [512, 128], strides = [1, 1]} : vector<512x512xf32> to vector<512x128xf32>
    %min3A_48 = arith.minimumf %min3A_36, %slice3A_47 : vector<512x128xf32>
    %slice3A_49 = vector.extract_strided_slice %add3A_46 {offsets = [0, 128], sizes = [512, 128], strides = [1, 1]} : vector<512x512xf32> to vector<512x128xf32>
    %min3A_50 = arith.minimumf %min3A_48, %slice3A_49 : vector<512x128xf32>
    %slice3A_51 = vector.extract_strided_slice %add3A_46 {offsets = [0, 256], sizes = [512, 128], strides = [1, 1]} : vector<512x512xf32> to vector<512x128xf32>
    %min3A_52 = arith.minimumf %min3A_50, %slice3A_51 : vector<512x128xf32>
    %slice3A_53 = vector.extract_strided_slice %add3A_46 {offsets = [0, 384], sizes = [512, 128], strides = [1, 1]} : vector<512x512xf32> to vector<512x128xf32>
    %min3A_54 = arith.minimumf %min3A_52, %slice3A_53 : vector<512x128xf32>
    %add3A_55 = vector.broadcast %broadcast_in_dim3A : vector<512x1xf32> to vector<512x512xf32>
    %add3A_56 = arith.addf %dot_general3A_43, %add3A_55 : vector<512x512xf32>
    %reduce_min3A_57 = arith.constant dense<0x7F800000> : vector<512xf32>
    %reduce_min3A_58 = vector.multi_reduction <minimumf>, %add3A_56, %reduce_min3A_57 [0] : vector<512x512xf32> to vector<512xf32>
    %broadcast_in_dim3A_59 = vector.shape_cast %reduce_min3A_58 : vector<512xf32> to vector<1x512xf32>
    %slice3A_60 = vector.extract_strided_slice %convert_element_type3A_17 {offsets = [0, 1024], sizes = [3, 512], strides = [1, 1]} : vector<3x4096xbf16> to vector<3x512xbf16>
    %dot_general3A_61 = arith.constant dense<0.000000e+00> : vector<512x512xf32>
    %dot_general3A_62 = tpu.matmul %convert_element_type3A, %slice3A_60, %dot_general3A_61 {dimension_numbers = #tpu.dot_dimension_numbers<[1], [0], [0], [1], [0, 0, 1, 1], [], []>, transpose_lhs_hint = false} : vector<512x3xbf16>, vector<3x512xbf16>, vector<512x512xf32> -> vector<512x512xf32>
    %slice3A_63 = vector.extract_strided_slice %mul3A_16 {offsets = [0, 1024], sizes = [1, 512], strides = [1, 1]} : vector<1x4096xf32> to vector<1x512xf32>
    %add3A_64 = vector.broadcast %slice3A_63 : vector<1x512xf32> to vector<512x512xf32>
    %add3A_65 = arith.addf %dot_general3A_62, %add3A_64 : vector<512x512xf32>
    %slice3A_66 = vector.extract_strided_slice %add3A_65 {offsets = [0, 0], sizes = [512, 128], strides = [1, 1]} : vector<512x512xf32> to vector<512x128xf32>
    %min3A_67 = arith.minimumf %min3A_54, %slice3A_66 : vector<512x128xf32>
    %slice3A_68 = vector.extract_strided_slice %add3A_65 {offsets = [0, 128], sizes = [512, 128], strides = [1, 1]} : vector<512x512xf32> to vector<512x128xf32>
    %min3A_69 = arith.minimumf %min3A_67, %slice3A_68 : vector<512x128xf32>
    %slice3A_70 = vector.extract_strided_slice %add3A_65 {offsets = [0, 256], sizes = [512, 128], strides = [1, 1]} : vector<512x512xf32> to vector<512x128xf32>
    %min3A_71 = arith.minimumf %min3A_69, %slice3A_70 : vector<512x128xf32>
    %slice3A_72 = vector.extract_strided_slice %add3A_65 {offsets = [0, 384], sizes = [512, 128], strides = [1, 1]} : vector<512x512xf32> to vector<512x128xf32>
    %min3A_73 = arith.minimumf %min3A_71, %slice3A_72 : vector<512x128xf32>
    %add3A_74 = vector.broadcast %broadcast_in_dim3A : vector<512x1xf32> to vector<512x512xf32>
    %add3A_75 = arith.addf %dot_general3A_62, %add3A_74 : vector<512x512xf32>
    %reduce_min3A_76 = arith.constant dense<0x7F800000> : vector<512xf32>
    %reduce_min3A_77 = vector.multi_reduction <minimumf>, %add3A_75, %reduce_min3A_76 [0] : vector<512x512xf32> to vector<512xf32>
    %broadcast_in_dim3A_78 = vector.shape_cast %reduce_min3A_77 : vector<512xf32> to vector<1x512xf32>
    %slice3A_79 = vector.extract_strided_slice %convert_element_type3A_17 {offsets = [0, 1536], sizes = [3, 512], strides = [1, 1]} : vector<3x4096xbf16> to vector<3x512xbf16>
    %dot_general3A_80 = arith.constant dense<0.000000e+00> : vector<512x512xf32>
    %dot_general3A_81 = tpu.matmul %convert_element_type3A, %slice3A_79, %dot_general3A_80 {dimension_numbers = #tpu.dot_dimension_numbers<[1], [0], [0], [1], [0, 0, 1, 1], [], []>, transpose_lhs_hint = false} : vector<512x3xbf16>, vector<3x512xbf16>, vector<512x512xf32> -> vector<512x512xf32>
    %slice3A_82 = vector.extract_strided_slice %mul3A_16 {offsets = [0, 1536], sizes = [1, 512], strides = [1, 1]} : vector<1x4096xf32> to vector<1x512xf32>
    %add3A_83 = vector.broadcast %slice3A_82 : vector<1x512xf32> to vector<512x512xf32>
    %add3A_84 = arith.addf %dot_general3A_81, %add3A_83 : vector<512x512xf32>
    %slice3A_85 = vector.extract_strided_slice %add3A_84 {offsets = [0, 0], sizes = [512, 128], strides = [1, 1]} : vector<512x512xf32> to vector<512x128xf32>
    %min3A_86 = arith.minimumf %min3A_73, %slice3A_85 : vector<512x128xf32>
    %slice3A_87 = vector.extract_strided_slice %add3A_84 {offsets = [0, 128], sizes = [512, 128], strides = [1, 1]} : vector<512x512xf32> to vector<512x128xf32>
    %min3A_88 = arith.minimumf %min3A_86, %slice3A_87 : vector<512x128xf32>
    %slice3A_89 = vector.extract_strided_slice %add3A_84 {offsets = [0, 256], sizes = [512, 128], strides = [1, 1]} : vector<512x512xf32> to vector<512x128xf32>
    %min3A_90 = arith.minimumf %min3A_88, %slice3A_89 : vector<512x128xf32>
    %slice3A_91 = vector.extract_strided_slice %add3A_84 {offsets = [0, 384], sizes = [512, 128], strides = [1, 1]} : vector<512x512xf32> to vector<512x128xf32>
    %min3A_92 = arith.minimumf %min3A_90, %slice3A_91 : vector<512x128xf32>
    %add3A_93 = vector.broadcast %broadcast_in_dim3A : vector<512x1xf32> to vector<512x512xf32>
    %add3A_94 = arith.addf %dot_general3A_81, %add3A_93 : vector<512x512xf32>
    %reduce_min3A_95 = arith.constant dense<0x7F800000> : vector<512xf32>
    %reduce_min3A_96 = vector.multi_reduction <minimumf>, %add3A_94, %reduce_min3A_95 [0] : vector<512x512xf32> to vector<512xf32>
    %broadcast_in_dim3A_97 = vector.shape_cast %reduce_min3A_96 : vector<512xf32> to vector<1x512xf32>
    %slice3A_98 = vector.extract_strided_slice %convert_element_type3A_17 {offsets = [0, 2048], sizes = [3, 512], strides = [1, 1]} : vector<3x4096xbf16> to vector<3x512xbf16>
    %dot_general3A_99 = arith.constant dense<0.000000e+00> : vector<512x512xf32>
    %dot_general3A_100 = tpu.matmul %convert_element_type3A, %slice3A_98, %dot_general3A_99 {dimension_numbers = #tpu.dot_dimension_numbers<[1], [0], [0], [1], [0, 0, 1, 1], [], []>, transpose_lhs_hint = false} : vector<512x3xbf16>, vector<3x512xbf16>, vector<512x512xf32> -> vector<512x512xf32>
    %slice3A_101 = vector.extract_strided_slice %mul3A_16 {offsets = [0, 2048], sizes = [1, 512], strides = [1, 1]} : vector<1x4096xf32> to vector<1x512xf32>
    %add3A_102 = vector.broadcast %slice3A_101 : vector<1x512xf32> to vector<512x512xf32>
    %add3A_103 = arith.addf %dot_general3A_100, %add3A_102 : vector<512x512xf32>
    %slice3A_104 = vector.extract_strided_slice %add3A_103 {offsets = [0, 0], sizes = [512, 128], strides = [1, 1]} : vector<512x512xf32> to vector<512x128xf32>
    %min3A_105 = arith.minimumf %min3A_92, %slice3A_104 : vector<512x128xf32>
    %slice3A_106 = vector.extract_strided_slice %add3A_103 {offsets = [0, 128], sizes = [512, 128], strides = [1, 1]} : vector<512x512xf32> to vector<512x128xf32>
    %min3A_107 = arith.minimumf %min3A_105, %slice3A_106 : vector<512x128xf32>
    %slice3A_108 = vector.extract_strided_slice %add3A_103 {offsets = [0, 256], sizes = [512, 128], strides = [1, 1]} : vector<512x512xf32> to vector<512x128xf32>
    %min3A_109 = arith.minimumf %min3A_107, %slice3A_108 : vector<512x128xf32>
    %slice3A_110 = vector.extract_strided_slice %add3A_103 {offsets = [0, 384], sizes = [512, 128], strides = [1, 1]} : vector<512x512xf32> to vector<512x128xf32>
    %min3A_111 = arith.minimumf %min3A_109, %slice3A_110 : vector<512x128xf32>
    %add3A_112 = vector.broadcast %broadcast_in_dim3A : vector<512x1xf32> to vector<512x512xf32>
    %add3A_113 = arith.addf %dot_general3A_100, %add3A_112 : vector<512x512xf32>
    %reduce_min3A_114 = arith.constant dense<0x7F800000> : vector<512xf32>
    %reduce_min3A_115 = vector.multi_reduction <minimumf>, %add3A_113, %reduce_min3A_114 [0] : vector<512x512xf32> to vector<512xf32>
    %broadcast_in_dim3A_116 = vector.shape_cast %reduce_min3A_115 : vector<512xf32> to vector<1x512xf32>
    %slice3A_117 = vector.extract_strided_slice %convert_element_type3A_17 {offsets = [0, 2560], sizes = [3, 512], strides = [1, 1]} : vector<3x4096xbf16> to vector<3x512xbf16>
    %dot_general3A_118 = arith.constant dense<0.000000e+00> : vector<512x512xf32>
    %dot_general3A_119 = tpu.matmul %convert_element_type3A, %slice3A_117, %dot_general3A_118 {dimension_numbers = #tpu.dot_dimension_numbers<[1], [0], [0], [1], [0, 0, 1, 1], [], []>, transpose_lhs_hint = false} : vector<512x3xbf16>, vector<3x512xbf16>, vector<512x512xf32> -> vector<512x512xf32>
    %slice3A_120 = vector.extract_strided_slice %mul3A_16 {offsets = [0, 2560], sizes = [1, 512], strides = [1, 1]} : vector<1x4096xf32> to vector<1x512xf32>
    %add3A_121 = vector.broadcast %slice3A_120 : vector<1x512xf32> to vector<512x512xf32>
    %add3A_122 = arith.addf %dot_general3A_119, %add3A_121 : vector<512x512xf32>
    %slice3A_123 = vector.extract_strided_slice %add3A_122 {offsets = [0, 0], sizes = [512, 128], strides = [1, 1]} : vector<512x512xf32> to vector<512x128xf32>
    %min3A_124 = arith.minimumf %min3A_111, %slice3A_123 : vector<512x128xf32>
    %slice3A_125 = vector.extract_strided_slice %add3A_122 {offsets = [0, 128], sizes = [512, 128], strides = [1, 1]} : vector<512x512xf32> to vector<512x128xf32>
    %min3A_126 = arith.minimumf %min3A_124, %slice3A_125 : vector<512x128xf32>
    %slice3A_127 = vector.extract_strided_slice %add3A_122 {offsets = [0, 256], sizes = [512, 128], strides = [1, 1]} : vector<512x512xf32> to vector<512x128xf32>
    %min3A_128 = arith.minimumf %min3A_126, %slice3A_127 : vector<512x128xf32>
    %slice3A_129 = vector.extract_strided_slice %add3A_122 {offsets = [0, 384], sizes = [512, 128], strides = [1, 1]} : vector<512x512xf32> to vector<512x128xf32>
    %min3A_130 = arith.minimumf %min3A_128, %slice3A_129 : vector<512x128xf32>
    %add3A_131 = vector.broadcast %broadcast_in_dim3A : vector<512x1xf32> to vector<512x512xf32>
    %add3A_132 = arith.addf %dot_general3A_119, %add3A_131 : vector<512x512xf32>
    %reduce_min3A_133 = arith.constant dense<0x7F800000> : vector<512xf32>
    %reduce_min3A_134 = vector.multi_reduction <minimumf>, %add3A_132, %reduce_min3A_133 [0] : vector<512x512xf32> to vector<512xf32>
    %broadcast_in_dim3A_135 = vector.shape_cast %reduce_min3A_134 : vector<512xf32> to vector<1x512xf32>
    %slice3A_136 = vector.extract_strided_slice %convert_element_type3A_17 {offsets = [0, 3072], sizes = [3, 512], strides = [1, 1]} : vector<3x4096xbf16> to vector<3x512xbf16>
    %dot_general3A_137 = arith.constant dense<0.000000e+00> : vector<512x512xf32>
    %dot_general3A_138 = tpu.matmul %convert_element_type3A, %slice3A_136, %dot_general3A_137 {dimension_numbers = #tpu.dot_dimension_numbers<[1], [0], [0], [1], [0, 0, 1, 1], [], []>, transpose_lhs_hint = false} : vector<512x3xbf16>, vector<3x512xbf16>, vector<512x512xf32> -> vector<512x512xf32>
    %slice3A_139 = vector.extract_strided_slice %mul3A_16 {offsets = [0, 3072], sizes = [1, 512], strides = [1, 1]} : vector<1x4096xf32> to vector<1x512xf32>
    %add3A_140 = vector.broadcast %slice3A_139 : vector<1x512xf32> to vector<512x512xf32>
    %add3A_141 = arith.addf %dot_general3A_138, %add3A_140 : vector<512x512xf32>
    %slice3A_142 = vector.extract_strided_slice %add3A_141 {offsets = [0, 0], sizes = [512, 128], strides = [1, 1]} : vector<512x512xf32> to vector<512x128xf32>
    %min3A_143 = arith.minimumf %min3A_130, %slice3A_142 : vector<512x128xf32>
    %slice3A_144 = vector.extract_strided_slice %add3A_141 {offsets = [0, 128], sizes = [512, 128], strides = [1, 1]} : vector<512x512xf32> to vector<512x128xf32>
    %min3A_145 = arith.minimumf %min3A_143, %slice3A_144 : vector<512x128xf32>
    %slice3A_146 = vector.extract_strided_slice %add3A_141 {offsets = [0, 256], sizes = [512, 128], strides = [1, 1]} : vector<512x512xf32> to vector<512x128xf32>
    %min3A_147 = arith.minimumf %min3A_145, %slice3A_146 : vector<512x128xf32>
    %slice3A_148 = vector.extract_strided_slice %add3A_141 {offsets = [0, 384], sizes = [512, 128], strides = [1, 1]} : vector<512x512xf32> to vector<512x128xf32>
    %min3A_149 = arith.minimumf %min3A_147, %slice3A_148 : vector<512x128xf32>
    %add3A_150 = vector.broadcast %broadcast_in_dim3A : vector<512x1xf32> to vector<512x512xf32>
    %add3A_151 = arith.addf %dot_general3A_138, %add3A_150 : vector<512x512xf32>
    %reduce_min3A_152 = arith.constant dense<0x7F800000> : vector<512xf32>
    %reduce_min3A_153 = vector.multi_reduction <minimumf>, %add3A_151, %reduce_min3A_152 [0] : vector<512x512xf32> to vector<512xf32>
    %broadcast_in_dim3A_154 = vector.shape_cast %reduce_min3A_153 : vector<512xf32> to vector<1x512xf32>
    %slice3A_155 = vector.extract_strided_slice %convert_element_type3A_17 {offsets = [0, 3584], sizes = [3, 512], strides = [1, 1]} : vector<3x4096xbf16> to vector<3x512xbf16>
    %dot_general3A_156 = arith.constant dense<0.000000e+00> : vector<512x512xf32>
    %dot_general3A_157 = tpu.matmul %convert_element_type3A, %slice3A_155, %dot_general3A_156 {dimension_numbers = #tpu.dot_dimension_numbers<[1], [0], [0], [1], [0, 0, 1, 1], [], []>, transpose_lhs_hint = false} : vector<512x3xbf16>, vector<3x512xbf16>, vector<512x512xf32> -> vector<512x512xf32>
    %slice3A_158 = vector.extract_strided_slice %mul3A_16 {offsets = [0, 3584], sizes = [1, 512], strides = [1, 1]} : vector<1x4096xf32> to vector<1x512xf32>
    %add3A_159 = vector.broadcast %slice3A_158 : vector<1x512xf32> to vector<512x512xf32>
    %add3A_160 = arith.addf %dot_general3A_157, %add3A_159 : vector<512x512xf32>
    %slice3A_161 = vector.extract_strided_slice %add3A_160 {offsets = [0, 0], sizes = [512, 128], strides = [1, 1]} : vector<512x512xf32> to vector<512x128xf32>
    %min3A_162 = arith.minimumf %min3A_149, %slice3A_161 : vector<512x128xf32>
    %slice3A_163 = vector.extract_strided_slice %add3A_160 {offsets = [0, 128], sizes = [512, 128], strides = [1, 1]} : vector<512x512xf32> to vector<512x128xf32>
    %min3A_164 = arith.minimumf %min3A_162, %slice3A_163 : vector<512x128xf32>
    %slice3A_165 = vector.extract_strided_slice %add3A_160 {offsets = [0, 256], sizes = [512, 128], strides = [1, 1]} : vector<512x512xf32> to vector<512x128xf32>
    %min3A_166 = arith.minimumf %min3A_164, %slice3A_165 : vector<512x128xf32>
    %slice3A_167 = vector.extract_strided_slice %add3A_160 {offsets = [0, 384], sizes = [512, 128], strides = [1, 1]} : vector<512x512xf32> to vector<512x128xf32>
    %min3A_168 = arith.minimumf %min3A_166, %slice3A_167 : vector<512x128xf32>
    %add3A_169 = vector.broadcast %broadcast_in_dim3A : vector<512x1xf32> to vector<512x512xf32>
    %add3A_170 = arith.addf %dot_general3A_157, %add3A_169 : vector<512x512xf32>
    %reduce_min3A_171 = arith.constant dense<0x7F800000> : vector<512xf32>
    %reduce_min3A_172 = vector.multi_reduction <minimumf>, %add3A_170, %reduce_min3A_171 [0] : vector<512x512xf32> to vector<512xf32>
    %broadcast_in_dim3A_173 = vector.shape_cast %reduce_min3A_172 : vector<512xf32> to vector<1x512xf32>
    %reduce_min3A_174 = arith.constant dense<0x7F800000> : vector<512xf32>
    %reduce_min3A_175 = vector.multi_reduction <minimumf>, %min3A_168, %reduce_min3A_174 [1] : vector<512x128xf32> to vector<512xf32>
    %broadcast_in_dim3A_176 = vector.shape_cast %reduce_min3A_175 : vector<512xf32> to vector<512x1xf32>
    %add3A_177 = arith.addf %broadcast_in_dim3A_176, %broadcast_in_dim3A : vector<512x1xf32>
    %max3A = arith.constant 0.000000e+00 : f32
    %max3A_178 = vector.broadcast %max3A : f32 to vector<512x1xf32>
    %max3A_179 = arith.maximumf %add3A_177, %max3A_178 : vector<512x1xf32>
    %get3A_180 = arith.constant 0 : index
    %get3A_181 = arith.constant 0 : index
    %get3A_182 = vector.load %arg6[%get3A_180, %get3A_181] : memref<1x1xf32, #tpu.memory_space<vmem>>, vector<1x1xf32>
    %reduce_sum3A_183 = vector.shape_cast %max3A_179 : vector<512x1xf32> to vector<1x512x1xf32>
    %reduce_sum3A_184 = arith.constant dense<0.000000e+00> : vector<1xf32>
    %reduce_sum3A_185 = vector.multi_reduction <add>, %reduce_sum3A_183, %reduce_sum3A_184 [1, 2] : vector<1x512x1xf32> to vector<1xf32>
    %reduce_sum3A_186 = vector.shape_cast %reduce_sum3A_185 : vector<1xf32> to vector<1x1x1xf32>
    %reduce_sum3A_187 = vector.extract %reduce_sum3A_186[0, 0, 0] : f32 from vector<1x1x1xf32>
    %broadcast_in_dim3A_188 = vector.broadcast %reduce_sum3A_187 : f32 to vector<1x1xf32>
    %add3A_189 = arith.addf %get3A_182, %broadcast_in_dim3A_188 : vector<1x1xf32>
    %swap3A = arith.constant 0 : index
    %swap3A_190 = arith.constant 0 : index
    %swap3A_191 = vector.load %arg6[%swap3A, %swap3A_190] : memref<1x1xf32, #tpu.memory_space<vmem>>, vector<1x1xf32>
    tpu.vector_store %arg6[%swap3A, %swap3A_190], %add3A_189 {strides = array<i32>} : memref<1x1xf32, #tpu.memory_space<vmem>>, vector<1x1xf32>,
    %concatenate3A = tpu.concatenate %broadcast_in_dim3A_40, %broadcast_in_dim3A_59, %broadcast_in_dim3A_78, %broadcast_in_dim3A_97, %broadcast_in_dim3A_116, %broadcast_in_dim3A_135, %broadcast_in_dim3A_154, %broadcast_in_dim3A_173 in 1 : vector<1x512xf32>, vector<1x512xf32>, vector<1x512xf32>, vector<1x512xf32>, vector<1x512xf32>, vector<1x512xf32>, vector<1x512xf32>, vector<1x512xf32> -> vector<1x4096xf32>
    %get3A_192 = arith.constant 0 : index
    %get3A_193 = arith.constant 0 : index
    %get3A_194 = vector.load %arg5[%get3A_192, %get3A_193] : memref<1x4096xf32, #tpu.memory_space<vmem>>, vector<1x4096xf32>
    %min3A_195 = arith.minimumf %get3A_194, %concatenate3A : vector<1x4096xf32>
    %swap3A_196 = arith.constant 0 : index
    %swap3A_197 = arith.constant 0 : index
    %swap3A_198 = vector.load %arg5[%swap3A_196, %swap3A_197] : memref<1x4096xf32, #tpu.memory_space<vmem>>, vector<1x4096xf32>
    tpu.vector_store %arg5[%swap3A_196, %swap3A_197], %min3A_195 {strides = array<i32>} : memref<1x4096xf32, #tpu.memory_space<vmem>>, vector<1x4096xf32>,
    %eq3A_199 = arith.constant 7 : i32
    %eq3A_200 = arith.cmpi eq, %arg1, %eq3A_199 : i32
    %convert_element_type3A_201 = arith.extui %eq3A_200 : i1 to i32
    %cond3A_202 = arith.constant 0 : i32
    %cond3A_203 = arith.cmpi ne, %convert_element_type3A_201, %cond3A_202 : i32
    scf.if %cond3A_203 {
      %get3A_212 = arith.constant 0 : index
      %get3A_213 = arith.constant 0 : index
      %get3A_214 = vector.load %arg5[%get3A_212, %get3A_213] : memref<1x4096xf32, #tpu.memory_space<vmem>>, vector<1x4096xf32>
      %add3A_215 = arith.addf %get3A_214, %mul3A_16 : vector<1x4096xf32>
      %max3A_216 = arith.constant 0.000000e+00 : f32
      %max3A_217 = vector.broadcast %max3A_216 : f32 to vector<1x4096xf32>
      %max3A_218 = arith.maximumf %add3A_215, %max3A_217 : vector<1x4096xf32>
      %get3A_219 = arith.constant 0 : index
      %get3A_220 = arith.constant 0 : index
      %get3A_221 = vector.load %arg7[%get3A_219, %get3A_220] : memref<1x1xf32, #tpu.memory_space<vmem>>, vector<1x1xf32>
      %reduce_sum3A_222 = vector.shape_cast %max3A_218 : vector<1x4096xf32> to vector<1x1x4096xf32>
      %reduce_sum3A_223 = arith.constant dense<0.000000e+00> : vector<1xf32>
      %reduce_sum3A_224 = vector.multi_reduction <add>, %reduce_sum3A_222, %reduce_sum3A_223 [1, 2] : vector<1x1x4096xf32> to vector<1xf32>
      %reduce_sum3A_225 = vector.shape_cast %reduce_sum3A_224 : vector<1xf32> to vector<1x1x1xf32>
      %reduce_sum3A_226 = vector.extract %reduce_sum3A_225[0, 0, 0] : f32 from vector<1x1x1xf32>
      %broadcast_in_dim3A_227 = vector.broadcast %reduce_sum3A_226 : f32 to vector<1x1xf32>
      %add3A_228 = arith.addf %get3A_221, %broadcast_in_dim3A_227 : vector<1x1xf32>
      %swap3A_229 = arith.constant 0 : index
      %swap3A_230 = arith.constant 0 : index
      %swap3A_231 = vector.load %arg7[%swap3A_229, %swap3A_230] : memref<1x1xf32, #tpu.memory_space<vmem>>, vector<1x1xf32>
      tpu.vector_store %arg7[%swap3A_229, %swap3A_230], %add3A_228 {strides = array<i32>} : memref<1x1xf32, #tpu.memory_space<vmem>>, vector<1x1xf32>,
    } else {
    }
    %eq3A_204 = arith.constant 3 : i32
    %eq3A_205 = arith.cmpi eq, %arg0, %eq3A_204 : i32
    %eq3A_206 = arith.constant 7 : i32
    %eq3A_207 = arith.cmpi eq, %arg1, %eq3A_206 : i32
    %and3A_208 = arith.andi %eq3A_205, %eq3A_207 : i1
    %convert_element_type3A_209 = arith.extui %and3A_208 : i1 to i32
    %cond3A_210 = arith.constant 0 : i32
    %cond3A_211 = arith.cmpi ne, %convert_element_type3A_209, %cond3A_210 : i32
    scf.if %cond3A_211 {
      %get3A_212 = arith.constant 0 : index
      %get3A_213 = arith.constant 0 : index
      %get3A_214 = vector.load %arg6[%get3A_212, %get3A_213] : memref<1x1xf32, #tpu.memory_space<vmem>>, vector<1x1xf32>
      %div3A = arith.constant 1.638400e+04 : f32
      %div3A_215 = vector.broadcast %div3A : f32 to vector<1x1xf32>
      %div3A_216 = arith.divf %get3A_214, %div3A_215 : vector<1x1xf32>
      %get3A_217 = arith.constant 0 : index
      %get3A_218 = arith.constant 0 : index
      %get3A_219 = vector.load %arg7[%get3A_217, %get3A_218] : memref<1x1xf32, #tpu.memory_space<vmem>>, vector<1x1xf32>
      %div3A_220 = arith.constant 1.638400e+04 : f32
      %div3A_221 = vector.broadcast %div3A_220 : f32 to vector<1x1xf32>
      %div3A_222 = arith.divf %get3A_219, %div3A_221 : vector<1x1xf32>
      %add3A_223 = arith.addf %div3A_216, %div3A_222 : vector<1x1xf32>
      %swap3A_224 = arith.constant 0 : index
      %swap3A_225 = arith.constant 0 : index
      %swap3A_226 = vector.load %arg4[%swap3A_224, %swap3A_225] : memref<1x1xf32, #tpu.memory_space<vmem>>, vector<1x1xf32>
      tpu.vector_store %arg4[%swap3A_224, %swap3A_225], %add3A_223 {strides = array<i32>} : memref<1x1xf32, #tpu.memory_space<vmem>>, vector<1x1xf32>,
    } else {
    }
    return
  }
  func.func @transform_0(%arg0: i32, %arg1: i32) -> (i32, i32, i32) {
    %c0_i32 = arith.constant 0 : i32
    %c0_i32_0 = arith.constant 0 : i32
    return %arg0, %arg1, %c0_i32 : i32, i32, i32
  }
  func.func @transform_1(%arg0: i32, %arg1: i32) -> (i32, i32, i32) {
    %c0_i32 = arith.constant 0 : i32
    %c0_i32_0 = arith.constant 0 : i32
    %c0_i32_1 = arith.constant 0 : i32
    return %arg0, %c0_i32, %c0_i32_0 : i32, i32, i32
  }
  func.func @transform_2(%arg0: i32, %arg1: i32) -> (i32, i32) {
    %c0_i32 = arith.constant 0 : i32
    %c0_i32_0 = arith.constant 0 : i32
    %c0_i32_1 = arith.constant 0 : i32
    return %c0_i32, %c0_i32_0 : i32, i32
  }
}

</mosaic_0001>

<sc_bundles>
// kernel: gather_offload_async_start.1
scs
__scs_entry_jumppad:
0x0: {  	(pc) =	sbr.rel $0x88, $3  }
0x1: {  	(tag) =	ssettag $0x0;
	lr =	simm.s32 $0x1  }
0x2: {  	[smem:$0x3F9F] =	sst lr;
	_ =	strace $0xD0000000  }
0x3: {  	_ = 	snop  }
0x4: {  	_ = 	snop  }
0x5: {  	_ = 	snop  }
0x6: {  	_ = 	snop  }
0x7: {  	_ = 	snop  }
__scs_overlays_trampoline_lowered:
0x8: {  	[smem:$0x3FAE] =	sst s0  }
0x9: {  	[smem:$0x3FAF] =	sst s1  }
0xa: {  	[smem:$0x3FB0] =	sst s2  }
0xb: {  	[smem:$0x3FB1] =	sst s3  }
0xc: {  	[smem:$0x3FB2] =	sst s4  }
0xd: {  	[smem:$0x3FB3] =	sst s5  }
0xe: {  	[smem:$0x3FB4] =	sst s6  }
0xf: {  	[smem:$0x3FB5] =	sst s7  }
0x10: {  	[smem:$0x3FB6] =	sst s8  }
0x11: {  	[smem:$0x3FB7] =	sst s9;
	s0 =	simm.s32 @!p0 $0x0  }
0x12: {  	s1 =	sld [smem:$0x3F9D];
	s0 =	simm.s32 @p0 $0x1  }
0x13: {  	[smem:$0x3FB8] =	sst s0;
	s0 =	simm.s32 @!p1 $0x0  }
0x14: {  	s2 =	sld [smem:$0x3F9C];
	s0 =	simm.s32 @p1 $0x1  }
0x15: {  	[smem:$0x3FB9] =	sst s0;
	s0 =	simm.s32 @!p2 $0x0  }
0x16: {  	s3 =	sld [smem:$0x3FDB];
	s0 =	simm.s32 @p2 $0x1  }
0x17: {  	s4 =	simm.s32 $0x1BF5;
	[smem:$0x3FBB] =	sst s0  }
0x18: {  	s0 =	sld [smem:$0x3F9E];
	_ =	swait.ge [sflag:s4], $0x0  }
0x19: {  	s7 =	sld [smem:$0x3F9F]  }
0x1a: {  	s8 =	sadd.s32 $0xFFFFE003, lr  }
0x1b: {  	s9 =	sadd.s32 $0xFFFFFEF7, lr;
	s5 =	simm.s32 $0xFFFFFFFF;
	p2 =	slt.u32 s8, $0xFFFFF086  }
0x1c: {  	p1 =	slt.u32 s9, $0xF7A;
	s5 =	simm.s32 @!p2 $0x0  }
0x1d: {  	s5 =	simm.s32 @p1 $0x1;
	p0 =	seq.s32 s7, s2  }
0x1e: {  	s7 =	smul.u32 @!p0 $0xF7A, s2;
	p2 =	seq.s32 @!p0 s5, $0x0  }
0x1f: {  	s9 =	smul.u32 $0xF7A, s1;
	s8 =	simm.s32 @!p0 $0x1BF5;
	p2 =	por !p2, p0  }
0x20: {  	[sflag:s8] =	ssyncset.s32 @!p0 $0xFFFFF086;
	s6 =	sadd.s32 @!p0 s3, s7;
	s7 =	simm.s32 @!p0 $0x108  }
0x21: {  	s3 =	sadd.s32 s3, s9;
	s6 =	sadd.s32 @!p0 $0x88, s6;
	s7 =	simm.s32 @p2 $0x1082  }
0x22: {  	[simem:s7], [sflag:s8] =	dma.local @!p0 [hbm:s6], $0xF7A  }
0x23: {  	s9 =	sor.u32 $0xD0000000, s2;
	s6 =	simm.s32 $0x108;
	_ =	swait.ge @!p0 [sflag:s8], $0x0  }
0x24: {  	s3 =	sadd.s32 $0x88, s3;
	s6 =	simm.s32 @!p1 $0x1082;
	[sflag:s4] =	ssyncset.s32 $0xFFFFF086  }
0x25: {  	[simem:s6], [sflag:s4] =	dma.local [hbm:s3], $0xF7A  }
0x26: {  	[smem:$0x3F9F] =	sst s1;
	(tag) =	ssettag s2;
	_ =	strace s9  }
0x27: {  	s1 =	sld [smem:$0x3FAF]  }
0x28: {  	s2 =	sld [smem:$0x3FB0]  }
0x29: {  	s4 =	sld [smem:$0x3FB2]  }
0x2a: {  	p0 =	seq.s32 s5, $0x0;
	s5 =	sld [smem:$0x3FB3]  }
0x2b: {  	s6 =	sld [smem:$0x3FB4]  }
0x2c: {  	s7 =	sld [smem:$0x3FB5]  }
0x2d: {  	s3 =	simm.s32 $0x108;
	s8 =	sld [smem:$0x3FB6]  }
0x2e: {  	s3 =	simm.s32 @!p0 $0x1082;
	s9 =	sld [smem:$0x3FB7]  }
0x2f: {  	lr =	sadd.s32 s0, s3;
	s0 =	sld [smem:$0x3FAE]  }
0x30: {  	s3 =	sld [smem:$0x3FB1]  }
0x31: {  	[smem:$0x3FBA] =	sst s10  }
0x32: {  	s10 =	sld [smem:$0x3FB8];
	_ =	sdelay $0x3  }
0x33: {  	p0 =	seq.s32 s10, $0x1;
	s10 =	sld [smem:$0x3FBA];
	_ =	sdelay $0x3  }
0x34: {  	[smem:$0x3FBA] =	sst s10  }
0x35: {  	s10 =	sld [smem:$0x3FB9];
	_ =	sdelay $0x3  }
0x36: {  	p1 =	seq.s32 s10, $0x1;
	s10 =	sld [smem:$0x3FBA];
	_ =	sdelay $0x3  }
0x37: {  	[smem:$0x3FBA] =	sst s10  }
0x38: {  	s10 =	sld [smem:$0x3FBB]  }
0x39: {  	_ = 	snop;
	(pc) =	sbr.ind lr, $3  }
0x3a: {  	_ = 	snop  }
0x3b: {  	_ = 	snop  }
0x3c: {  	p2 =	seq.s32 s10, $0x1;
	s10 =	sld [smem:$0x3FBA]  }
0x3d: {  	_ =	shalt  }
0x3e: {  	_ =	shalt  }
0x3f: {  	_ =	shalt  }
0x40: {  	_ =	shalt  }
0x41: {  	_ =	shalt  }
0x42: {  	_ =	shalt  }
0x43: {  	_ =	shalt  }
0x44: {  	_ =	shalt  }
0x45: {  	_ =	shalt  }
0x46: {  	_ =	shalt  }
0x47: {  	_ =	shalt  }
0x48: {  	_ =	shalt  }
0x49: {  	_ =	shalt  }
0x4a: {  	_ =	shalt  }
0x4b: {  	_ =	shalt  }
0x4c: {  	_ =	shalt  }
0x4d: {  	_ =	shalt  }
0x4e: {  	_ =	shalt  }
0x4f: {  	_ =	shalt  }
0x50: {  	_ =	shalt  }
0x51: {  	_ =	shalt  }
0x52: {  	_ =	shalt  }
0x53: {  	_ =	shalt  }
0x54: {  	_ =	shalt  }
0x55: {  	_ =	shalt  }
0x56: {  	_ =	shalt  }
0x57: {  	_ =	shalt  }
0x58: {  	_ =	shalt  }
0x59: {  	_ =	shalt  }
0x5a: {  	_ =	shalt  }
0x5b: {  	_ =	shalt  }
0x5c: {  	_ =	shalt  }
0x5d: {  	_ =	shalt  }
0x5e: {  	_ =	shalt  }
0x5f: {  	_ =	shalt  }
0x60: {  	_ =	shalt  }
0x61: {  	_ =	shalt  }
0x62: {  	_ =	shalt  }
0x63: {  	_ =	shalt  }
0x64: {  	_ =	shalt  }
0x65: {  	_ =	shalt  }
0x66: {  	_ =	shalt  }
0x67: {  	_ =	shalt  }
0x68: {  	_ =	shalt  }
0x69: {  	_ =	shalt  }
0x6a: {  	_ =	shalt  }
0x6b: {  	_ =	shalt  }
0x6c: {  	_ =	shalt  }
0x6d: {  	_ =	shalt  }
0x6e: {  	_ =	shalt  }
0x6f: {  	_ =	shalt  }
0x70: {  	_ =	shalt  }
0x71: {  	_ =	shalt  }
0x72: {  	_ =	shalt  }
0x73: {  	_ =	shalt  }
0x74: {  	_ =	shalt  }
0x75: {  	_ =	shalt  }
0x76: {  	_ =	shalt  }
0x77: {  	_ =	shalt  }
0x78: {  	_ =	shalt  }
0x79: {  	_ =	shalt  }
0x7a: {  	_ =	shalt  }
0x7b: {  	_ =	shalt  }
0x7c: {  	_ =	shalt  }
0x7d: {  	_ =	shalt  }
0x7e: {  	_ =	shalt  }
0x7f: {  	_ =	shalt  }
0x80: {  	_ =	shalt  }
0x81: {  	_ =	shalt  }
0x82: {  	_ =	shalt  }
0x83: {  	_ =	shalt  }
0x84: {  	_ =	shalt  }
0x85: {  	_ =	shalt  }
0x86: {  	_ =	shalt  }
0x87: {  	_ =	shalt  }
.Lfunc_end0:
.L_simem_size_0:
called_computation.1_lowered:
.L_overlay_start_0:
0x88: {  	s2 =	sld [smem:$0x3FD9]  }
0x89: {  	s3 =	sld [smem:$0x3FFE];
	_ =	sdelay $0x1  }
0x8a: {  	s1 =	srdreg.scid  }
0x8b: {  	s0 =	sand.u32 $0x1, s1  }
0x8c: {  	s16 =	sshll.u32 s0, $0xA;
	s2 =	sadd.s32 s3, s2  }
0x8d: {  	s2 =	sadd.s32 s2, s16  }
0x8e: {  	[smem:$0x3FC6] =	sst s2  }
0x8f: {  	_ = 	snop  }
0x90: {  	(tm) =	ssettm $0x1  }
0x91: {  	s17 =	sld [smem:$0x3FFB];
	_ =	sdelay $0x3  }
0x92: {  	_ =	strace s17  }
0x93: {  	s2 =	sld [smem:$0x3FFC];
	_ =	sdelay $0x3  }
0x94: {  	_ =	strace s2  }
0x95: {  	s2 =	sld [smem:$0x3FFD];
	_ =	sdelay $0x3  }
0x96: {  	_ =	strace s2  }
0x97: {  	_ =	strace $0x8FFFFFFF  }
0x98: {  	s18 =	sld [smem:$0x3FDB];
	_ =	sdelay $0x1  }
0x99: {  	s19 =	simm.s32 $_scs_section_size  }
0x9a: {  	s4 =	simm.s32 $_size__tile_overlayer_lowered;
	s5 =	simm.s32 $_tile_overlayer_lowered  }
0x9b: {  	s22 =	simm.s32 $0x1BFF;
	s21 =	sshll.u32 s5, $0x1;
	s2 =	sadd.s32 s19, s18  }
0x9c: {  	s6 =	simm.s32 $0x0;
	s20 =	sshll.u32 s4, $0x1;
	s4 =	sadd.s32 s21, s2  }
0x9d: {  	[timem:s6], [sflag:s22] =	dma.local [hbm:s4], s20  }
0x9e: {  	_ =	swait.ge [sflag:s22], s20  }
0x9f: {  	s3 =	ssub.s32 $0x0, s20;
	[sflag:s22] =	ssyncset.done $0x0  }
0xa0: {  	[sflag:s22] =	ssyncadd.s32 s3;
	_ =	sdelay $0x1  }
0xa1: {  	s23 =	simm.s32 $0x1B8B  }
0xa2: {  	_ =	swait.ge [sflag:s23], $0x1  }
0xa3: {  	[sflag:s23] =	ssyncset.done $0x0  }
0xa4: {  	s25 =	simm.s32 $0x1B8E;
	s24 =	sld [smem:$0x3FFE];
	[sflag:s23] =	ssyncadd.s32 $0xFFFFFFFF  }
0xa5: {  	s26 =	simm.s32 $execute0_lowered;
	[smem:$0x3FD2] =	sst s25  }
0xa6: {  	s4 =	sshll.u32 s26, $0x1;
	_ =	strace $0x80000046;
	[dreg:$0x1] =	wrdreg $0xFFFFFFFF  }
0xa7: {  	s28 =	simm.s32 $_size_execute0_lowered;
	s2 =	sadd.s32 s2, s4;
	[dreg:$0x0] =	wrdreg $0x0  }
0xa8: {  	s4 =	sshll.u32 s28, $0x1;
	[dreg:$0x2] =	wrdreg s2  }
0xa9: {  	[dreg:$0x3] =	wrdreg s4  }
0xaa: {  	[dreg:$0x4] =	wrdreg $0xC0  }
0xab: {  	_ =	task [dreg:s6], $0x5FFFF  }
0xac: {  	[dreg:$0x1] =	wrdreg $0xFFFFFFFF  }
0xad: {  	[dreg:$0x0] =	wrdreg $0x60  }
0xae: {  	[dreg:$0x2] =	wrdreg s24  }
0xaf: {  	[dreg:$0x3] =	wrdreg $0xA  }
0xb0: {  	_ =	task.clear_ibuf [dreg:s6], $0x4FFFF;
	_ =	strace $0x90000046  }
0xb1: {  	s29 =	simm.s32 $0xA;
	_ =	strace $0x80000048  }
0xb2: {  	_ =	swait.ge [sflag:s29], $0x1  }
0xb3: {  	[sflag:s29] =	ssyncadd.s32 $0xFFFFFFFF  }
0xb4: {  	_ =	strace $0x90000048  }
0xb5: {  	_ =	sfence  }
0xb6: {  	s30 =	sld [smem:$0x0];
	_ =	sdelay $0x2  }
0xb7: {  	s31 =	sshll.u32 s1, $0xD;
	s1 =	sshrl.u32 s1, $0x2  }
0xb8: {  	s3 =	sand.u32 $0x4000, s31;
	s1 =	sadd.s32 s1, s30  }
0xb9: {  	s0 =	sor.u32 s3, s0;
	s1 =	sshll.u32 s1, $0x11  }
0xba: {  	s0 =	sor.u32 s1, s0  }
0xbb: {  	s0 =	sadd.s32 $0x8F2B, s0  }
0xbc: {  	[sflag:s0] =	ssyncadd.remote.s32 $0x1  }
0xbd: {  	_ =	sfence.sel $0xFFFF  }
0xbe: {  	[dreg:$0x0] =	wrdreg $0xFFFFFFFF;
	(pc) =	sbr.abs _section_cstart, $3  }
0xbf: {  	[dreg:$0x1] =	wrdreg $0xFFFFFFFF  }
0xc0: {  	_ =	task.clear_ibuf [dreg:s6], $0x2FFFF;
	_ =	strace $0x9FFFFFFF  }
0xc1: {  	(tm) =	ssettm $0x7FFFFFFF  }
tec
execute0_lowered:
.L_overlay_start_1:
0x0: {  	(tag) =	ssettag $0x1  }
0x1: {  	s2 =	rddreg [dreg:$0x0]  }
0x2: {  	s0 =	rddreg [dreg:$0x1]  }
0x3: {  	s1 =	srdreg.scid;
	_ =	strace $0x80000047;
	s4 =	simm.s32 $0x1  }
0x4: {  	s9 =	simm.s32 $0x3;
	s11 =	simm.s32 $0x0;
	s5 =	sshll.u32 s1, $0x4  }
.Ltmp0:
0x5: {  	s1 =	stileid.u32;
	s5 =	sand.u32 $0x10, s5;
	(pc) =	sbr.rel .LBB2_1-.Ltmp0, $4  }
0x6: {  	p0 =	por $0x0, $0x0;
	s3 =	sadd.s32 $0x40200, s2;
	s6 =	sor.u32 s1, s5  }
0x7: {  	[sflag:s4] =	ssyncpa.u1 $0x0;
	s5 =	simm.s32 $0x2;
	s6 =	sshll.u32 s6, $0x9  }
0x8: {  	s7 =	sadd.s32 $0x40A00, s2;
	[sflag:s5] =	ssyncpa.u1 $0x0;
	s8 =	sadd.s32 $0x200, s6  }
0x9: {  	vm0 =	vmmov $0xff;
	vm1 =	vcmask $0x3F20;
	[sflag:s9] =	ssyncpa.u1 $0x0;
	s10 =	smov.u32 s6;
	s9 =	simm.s32 $0x0  }
.LBB2_7:
0xa: {  	p1 =	slt.u32 s9, $0x2;
	s11 =	sadd.s32 $0x100, s10  }
0xb: {  	s13 =	smov.u32 s6;
	s9 =	sadd.s32 $0x1, s9;
	p2 =	slt.s32 s11, s8  }
0xc: {  	s13 =	smov.u32 @p2 s11;
	p2 =	sne.s32 s9, $0x4  }
.Ltmp1:
0xd: {  	_ = 	snop;
	(pc) =	sbr.rel @!p2 .LBB2_8-.Ltmp1, $4  }
0xe: {  	s12 =	simm.s32 @!p1 $0x3  }
0xf: {  	_ =	swait.ge @!p1 [sflag:s12], $0x8000  }
0x10: {  	p0 =	por !p0, !p0;
	[sflag:s12] =	ssyncset.done @!p1 $0x0  }
0x11: {  	s11 =	smov.u32 s10;
	s10 =	smov.u32 s13;
	[sflag:s12] =	ssyncadd.s32 @!p1 $0xFFFF8000  }
.LBB2_1:
0x12: {  	p1 =	sgt.u32 s9, $0x1  }
0x13: {  	s12 =	sshll.u32 @!p1 s9, $0x8;
	s13 =	sshrl.u32 @!p1 s10, $0x3  }
0x14: {  	s14 =	sand.u32 @!p1 $0x7, s10;
	s12 =	sxor.u32 @!p1 $0x100, s12;
	s13 =	sadd.s32 @!p1 s3, s13  }
0x15: {  	[tilespmem:s12], [sflag:$0x2] =	stream.linear.gather @!p1 [hbm4b:s13+s14], $0x100, $0x38;
	[tilespmem:$0x10200] =	vst v63  }
0x16: {  	p1 =	seq.s32 s9, $0x0  }
0x17: {  	p2 =	seq.s32 @!p1 s9, $0x3  }
0x18: {  	p1 =	por p1, p2  }
.Ltmp2:
0x19: {  	_ = 	snop;
	(pc) =	sbr.rel @p1 .LBB2_7-.Ltmp2, $1  }
0x1a: {  	_ =	sdelay $0x3  }
0x1b: {  	s12 =	simm.s32 $0x1  }
0x1c: {  	_ =	swait.ge [sflag:s5], $0x100;
	s12 =	simm.s32 @!p0 $0x0  }
0x1d: {  	[sflag:s5] =	ssyncset.done $0x0;
	s14 =	sshll.u32 s12, $0x8  }
0x1e: {  	[sflag:s5] =	ssyncadd.s32 $0xFFFFFF00;
	s13 =	sadd.s32 $0x0, s14  }
0x1f: {  	v0 =	vld.msk [tilespmem:s13+$0x0 ss:$0x1], $0xffff;
	_ =	sdelay $0x4  }
0x20: {  	v1 =	vshll.u32 v0, $0x5  }
0x21: {  	vm2 =	veq.s32 v0, $0x80000000;
	v0 =	vshll.u32 v0, $0x13;
	v1 =	vand.u32 $0x7FF80, v1  }
0x22: {  	v0 =	vand.u32 $0x180000, v0;
	v1 =	vsel vm2, $0xFFFFFF80, v1  }
0x23: {  	v0 =	vsel vm2, $0xFFF80000, v0;
	v2 =	vand.u32 $0xFFFFFC00, v1  }
0x24: {  	v1 =	vand.u32 $0x380, v1;
	v0 =	vadd.s32 v0, v2  }
0x25: {  	v0 =	vor.u32 v1, v0  }
0x26: {  	v0 =	vshrl.u32 v0, $0x3;
	_ =	sdelay $0x2  }
0x27: {  	s12 =	sshll.u32 s12, $0xF  }
0x28: {  	s12 =	sor.u32 $0x200, s12  }
0x29: {  	[tilespmem:s12], [sflag:$0x1] =	stream.indirect_vreg.gather [hbm:s2], $0x80, v0, vm0, $0x38;
	[tilespmem:$0x10200] =	vst v63  }
0x2a: {  	s15 =	sadd.s32 $0x10, s14;
	s13 =	sadd.s32 $0x400, s12  }
0x2b: {  	[tilespmem:s13], [sflag:$0x1] =	stream.indirect_vreg.gather [hbm:s2], $0x80, v0, vm1, $0x38;
	[tilespmem:$0x10200] =	vst v63  }
0x2c: {  	s16 =	simm.s32 $0x80;
	v0 =	vld.msk [tilespmem:s15+$0x0 ss:$0x1], $0xffff;
	s15 =	smov.u32 s12  }
.LBB2_3:
0x2d: {  	p1 =	sne.s32 s16, $0x3C0;
	_ =	sdelay $0x4  }
0x2e: {  	v1 =	vshll.u32 v0, $0x5  }
0x2f: {  	vm2 =	veq.s32 v0, $0x80000000;
	v0 =	vshll.u32 v0, $0x13;
	v1 =	vand.u32 $0x7FF80, v1  }
0x30: {  	v0 =	vand.u32 $0x180000, v0;
	v1 =	vsel vm2, $0xFFFFFF80, v1  }
0x31: {  	v0 =	vsel vm2, $0xFFF80000, v0;
	v2 =	vand.u32 $0xFFFFFC00, v1  }
0x32: {  	v1 =	vand.u32 $0x380, v1;
	v0 =	vadd.s32 v0, v2  }
0x33: {  	v0 =	vor.u32 v1, v0  }
0x34: {  	v0 =	vshrl.u32 v0, $0x3;
	_ =	sdelay $0x3  }
.Ltmp3:
0x35: {  	s17 =	sshra.s32 s16, $0x2;
	s15 =	sadd.s32 $0x800, s15;
	(pc) =	sbr.rel @p1 .LBB2_3-.Ltmp3, $4  }
0x36: {  	[tilespmem:s15], [sflag:$0x1] =	stream.indirect_vreg.gather [hbm:s2], $0x80, v0, vm0, $0x38;
	[tilespmem:$0x10200] =	vst v63  }
0x37: {  	s17 =	sadd.s32 s17, s14;
	s18 =	sadd.s32 $0x400, s15  }
0x38: {  	[tilespmem:s18], [sflag:$0x1] =	stream.indirect_vreg.gather [hbm:s2], $0x80, v0, vm1, $0x38;
	[tilespmem:$0x10200] =	vst v63  }
0x39: {  	s16 =	sadd.s32 $0x40, s16;
	v0 =	vld.msk [tilespmem:s17+$0x0 ss:$0x1], $0xffff  }
0x3a: {  	_ =	sdelay $0x3  }
0x3b: {  	v1 =	vshll.u32 v0, $0x5  }
0x3c: {  	vm2 =	veq.s32 v0, $0x80000000;
	v63 =	vshll.u32 v0, $0x13;
	v1 =	vand.u32 $0x7FF80, v1  }
0x3d: {  	v0 =	vand.u32 $0x180000, v63;
	v1 =	vsel vm2, $0xFFFFFF80, v1  }
0x3e: {  	v0 =	vsel vm2, $0xFFF80000, v0;
	v2 =	vand.u32 $0xFFFFFC00, v1  }
0x3f: {  	v1 =	vand.u32 $0x380, v1;
	v0 =	vadd.s32 v0, v2  }
0x40: {  	v0 =	vor.u32 v1, v0  }
0x41: {  	v0 =	vshrl.u32 v0, $0x3;
	_ =	sdelay $0x3  }
0x42: {  	s14 =	sadd.s32 $0x800, s15  }
0x43: {  	[tilespmem:s14], [sflag:$0x1] =	stream.indirect_vreg.gather [hbm:s2], $0x80, v0, vm0, $0x38;
	[tilespmem:$0x10200] =	vst v63  }
0x44: {  	s14 =	sadd.s32 $0x400, s14  }
0x45: {  	[tilespmem:s14], [sflag:$0x1] =	stream.indirect_vreg.gather [hbm:s2], $0x80, v0, vm1, $0x38;
	[tilespmem:$0x10200] =	vst v63  }
0x46: {  	s11 =	sshll.u32 s11, $0x4;
	_ =	swait.ge [sflag:s4], $0x8000  }
0x47: {  	s11 =	sadd.s32 s11, s7;
	[sflag:s4] =	ssyncset.done $0x0  }
0x48: {  	s15 =	sadd.s32 $0x0, s11;
	s14 =	simm.s32 $0x80;
	[sflag:s4] =	ssyncadd.s32 $0xFFFF8000  }
.LBB2_5:
0x49: {  	[hbm:s15] =	stream.linear.scatter [tilespmem:s12], [sflag:$0x3], $0x400, $0x38;
	[tilespmem:$0x10200] =	vst v63  }
0x4a: {  	s15 =	smov.u32 s14;
	s12 =	smov.u32 s13;
	p1 =	sne.s32 s14, $0xF80  }
.Ltmp4:
0x4b: {  	s14 =	sadd.s32 $0x80, s14;
	(pc) =	sbr.rel @p1 .LBB2_5-.Ltmp4, $2  }
0x4c: {  	_ =	sdelay $0x2  }
0x4d: {  	s13 =	sadd.s32 $0x400, s13;
	s15 =	sadd.s32 s15, s11  }
.Ltmp5:
0x4e: {  	(pc) =	sbr.rel .LBB2_7-.Ltmp5, $2  }
0x4f: {  	_ =	sdelay $0x2  }
0x50: {  	[hbm:s15] =	stream.linear.scatter [tilespmem:s12], [sflag:$0x3], $0x400, $0x38;
	[tilespmem:$0x10200] =	vst v63  }
.LBB2_8:
0x51: {  	_ =	sfence.sel $0x180000  }
0x52: {  	s2 =	simm.s32 $0x2;
	[bflag:$0x0] =	sbarrier.arrive $0xFFFF  }
0x53: {  	s30 =	simm.s32 $0x3;
	[sflag:s2] =	ssyncpa.u1 $0x1  }
0x54: {  	s31 =	simm.s32 $0x1;
	[sflag:s30] =	ssyncpa.u1 $0x1  }
0x55: {  	[sflag:s31] =	ssyncpa.u1 $0x1  }
0x56: {  	p0 =	sne.s32 s1, $0x0;
	_ =	strace $0x90000047  }
0x57: {  	s0 =	sadd.s32 @!p0 $0x100000, s0;
	[bflag:$0x2] =	sbarrier.arrive $0xFFFF  }
0x58: {  	[sflag:s0] =	ssyncadd.tile.s32 @!p0 $0x1;
	_ =	shalt  }
.Lfunc_end2:
_tile_overlayer_lowered:
.L_overlay_start_2:
0x59: {  	(tag) =	ssettag $0x2  }
0x5a: {  	s0 =	rddreg [dreg:$0x0];
	s2 =	stileid.u32  }
0x5b: {  	s1 =	rddreg [dreg:$0x1];
	p0 =	sne.s32 s2, $0x0  }
0x5c: {  	s3 =	rddreg [dreg:$0x2];
	[bflag:$0x3] =	sbarrier.arrive $0xFFFF;
	s2 =	simm.s32 @!p0 $0x1C01  }
0x5d: {  	[timem:s3], [sflag:s2] =	dma.local @!p0 [hbm:s0], s1  }
0x5e: {  	s0 =	simm.s32 @!p0 $0x1  }
0x5f: {  	_ =	swait.ge @!p0 [sflag:s0], s1  }
0x60: {  	s1 =	ssub.s32 @!p0 $0x0, s1;
	[sflag:s0] =	ssyncset.done @!p0 $0x0  }
0x61: {  	[sflag:s0] =	ssyncadd.s32 @!p0 s1  }
0x62: {  	[bflag:$0x3] =	sbarrier.arrive $0xFFFF  }
0x63: {  	_ =	shalt  }

// kernel: gather_offload_async_start
scs
__scs_entry_jumppad:
0x0: {  	(pc) =	sbr.rel $0x88, $3  }
0x1: {  	(tag) =	ssettag $0x0;
	lr =	simm.s32 $0x1  }
0x2: {  	[smem:$0x3F9F] =	sst lr;
	_ =	strace $0xD0000000  }
0x3: {  	_ = 	snop  }
0x4: {  	_ = 	snop  }
0x5: {  	_ = 	snop  }
0x6: {  	_ = 	snop  }
0x7: {  	_ = 	snop  }
__scs_overlays_trampoline_lowered:
0x8: {  	[smem:$0x3FAE] =	sst s0  }
0x9: {  	[smem:$0x3FAF] =	sst s1  }
0xa: {  	[smem:$0x3FB0] =	sst s2  }
0xb: {  	[smem:$0x3FB1] =	sst s3  }
0xc: {  	[smem:$0x3FB2] =	sst s4  }
0xd: {  	[smem:$0x3FB3] =	sst s5  }
0xe: {  	[smem:$0x3FB4] =	sst s6  }
0xf: {  	[smem:$0x3FB5] =	sst s7  }
0x10: {  	[smem:$0x3FB6] =	sst s8  }
0x11: {  	[smem:$0x3FB7] =	sst s9;
	s0 =	simm.s32 @!p0 $0x0  }
0x12: {  	s1 =	sld [smem:$0x3F9D];
	s0 =	simm.s32 @p0 $0x1  }
0x13: {  	[smem:$0x3FB8] =	sst s0;
	s0 =	simm.s32 @!p1 $0x0  }
0x14: {  	s2 =	sld [smem:$0x3F9C];
	s0 =	simm.s32 @p1 $0x1  }
0x15: {  	[smem:$0x3FB9] =	sst s0;
	s0 =	simm.s32 @!p2 $0x0  }
0x16: {  	s3 =	sld [smem:$0x3FDB];
	s0 =	simm.s32 @p2 $0x1  }
0x17: {  	s4 =	simm.s32 $0x1BF5;
	[smem:$0x3FBB] =	sst s0  }
0x18: {  	s0 =	sld [smem:$0x3F9E];
	_ =	swait.ge [sflag:s4], $0x0  }
0x19: {  	s7 =	sld [smem:$0x3F9F]  }
0x1a: {  	s8 =	sadd.s32 $0xFFFFE003, lr  }
0x1b: {  	s9 =	sadd.s32 $0xFFFFFEF7, lr;
	s5 =	simm.s32 $0xFFFFFFFF;
	p2 =	slt.u32 s8, $0xFFFFF086  }
0x1c: {  	p1 =	slt.u32 s9, $0xF7A;
	s5 =	simm.s32 @!p2 $0x0  }
0x1d: {  	s5 =	simm.s32 @p1 $0x1;
	p0 =	seq.s32 s7, s2  }
0x1e: {  	s7 =	smul.u32 @!p0 $0xF7A, s2;
	p2 =	seq.s32 @!p0 s5, $0x0  }
0x1f: {  	s9 =	smul.u32 $0xF7A, s1;
	s8 =	simm.s32 @!p0 $0x1BF5;
	p2 =	por !p2, p0  }
0x20: {  	[sflag:s8] =	ssyncset.s32 @!p0 $0xFFFFF086;
	s6 =	sadd.s32 @!p0 s3, s7;
	s7 =	simm.s32 @!p0 $0x108  }
0x21: {  	s3 =	sadd.s32 s3, s9;
	s6 =	sadd.s32 @!p0 $0x88, s6;
	s7 =	simm.s32 @p2 $0x1082  }
0x22: {  	[simem:s7], [sflag:s8] =	dma.local @!p0 [hbm:s6], $0xF7A  }
0x23: {  	s9 =	sor.u32 $0xD0000000, s2;
	s6 =	simm.s32 $0x108;
	_ =	swait.ge @!p0 [sflag:s8], $0x0  }
0x24: {  	s3 =	sadd.s32 $0x88, s3;
	s6 =	simm.s32 @!p1 $0x1082;
	[sflag:s4] =	ssyncset.s32 $0xFFFFF086  }
0x25: {  	[simem:s6], [sflag:s4] =	dma.local [hbm:s3], $0xF7A  }
0x26: {  	[smem:$0x3F9F] =	sst s1;
	(tag) =	ssettag s2;
	_ =	strace s9  }
0x27: {  	s1 =	sld [smem:$0x3FAF]  }
0x28: {  	s2 =	sld [smem:$0x3FB0]  }
0x29: {  	s4 =	sld [smem:$0x3FB2]  }
0x2a: {  	p0 =	seq.s32 s5, $0x0;
	s5 =	sld [smem:$0x3FB3]  }
0x2b: {  	s6 =	sld [smem:$0x3FB4]  }
0x2c: {  	s7 =	sld [smem:$0x3FB5]  }
0x2d: {  	s3 =	simm.s32 $0x108;
	s8 =	sld [smem:$0x3FB6]  }
0x2e: {  	s3 =	simm.s32 @!p0 $0x1082;
	s9 =	sld [smem:$0x3FB7]  }
0x2f: {  	lr =	sadd.s32 s0, s3;
	s0 =	sld [smem:$0x3FAE]  }
0x30: {  	s3 =	sld [smem:$0x3FB1]  }
0x31: {  	[smem:$0x3FBA] =	sst s10  }
0x32: {  	s10 =	sld [smem:$0x3FB8];
	_ =	sdelay $0x3  }
0x33: {  	p0 =	seq.s32 s10, $0x1;
	s10 =	sld [smem:$0x3FBA];
	_ =	sdelay $0x3  }
0x34: {  	[smem:$0x3FBA] =	sst s10  }
0x35: {  	s10 =	sld [smem:$0x3FB9];
	_ =	sdelay $0x3  }
0x36: {  	p1 =	seq.s32 s10, $0x1;
	s10 =	sld [smem:$0x3FBA];
	_ =	sdelay $0x3  }
0x37: {  	[smem:$0x3FBA] =	sst s10  }
0x38: {  	s10 =	sld [smem:$0x3FBB]  }
0x39: {  	_ = 	snop;
	(pc) =	sbr.ind lr, $3  }
0x3a: {  	_ = 	snop  }
0x3b: {  	_ = 	snop  }
0x3c: {  	p2 =	seq.s32 s10, $0x1;
	s10 =	sld [smem:$0x3FBA]  }
0x3d: {  	_ =	shalt  }
0x3e: {  	_ =	shalt  }
0x3f: {  	_ =	shalt  }
0x40: {  	_ =	shalt  }
0x41: {  	_ =	shalt  }
0x42: {  	_ =	shalt  }
0x43: {  	_ =	shalt  }
0x44: {  	_ =	shalt  }
0x45: {  	_ =	shalt  }
0x46: {  	_ =	shalt  }
0x47: {  	_ =	shalt  }
0x48: {  	_ =	shalt  }
0x49: {  	_ =	shalt  }
0x4a: {  	_ =	shalt  }
0x4b: {  	_ =	shalt  }
0x4c: {  	_ =	shalt  }
0x4d: {  	_ =	shalt  }
0x4e: {  	_ =	shalt  }
0x4f: {  	_ =	shalt  }
0x50: {  	_ =	shalt  }
0x51: {  	_ =	shalt  }
0x52: {  	_ =	shalt  }
0x53: {  	_ =	shalt  }
0x54: {  	_ =	shalt  }
0x55: {  	_ =	shalt  }
0x56: {  	_ =	shalt  }
0x57: {  	_ =	shalt  }
0x58: {  	_ =	shalt  }
0x59: {  	_ =	shalt  }
0x5a: {  	_ =	shalt  }
0x5b: {  	_ =	shalt  }
0x5c: {  	_ =	shalt  }
0x5d: {  	_ =	shalt  }
0x5e: {  	_ =	shalt  }
0x5f: {  	_ =	shalt  }
0x60: {  	_ =	shalt  }
0x61: {  	_ =	shalt  }
0x62: {  	_ =	shalt  }
0x63: {  	_ =	shalt  }
0x64: {  	_ =	shalt  }
0x65: {  	_ =	shalt  }
0x66: {  	_ =	shalt  }
0x67: {  	_ =	shalt  }
0x68: {  	_ =	shalt  }
0x69: {  	_ =	shalt  }
0x6a: {  	_ =	shalt  }
0x6b: {  	_ =	shalt  }
0x6c: {  	_ =	shalt  }
0x6d: {  	_ =	shalt  }
0x6e: {  	_ =	shalt  }
0x6f: {  	_ =	shalt  }
0x70: {  	_ =	shalt  }
0x71: {  	_ =	shalt  }
0x72: {  	_ =	shalt  }
0x73: {  	_ =	shalt  }
0x74: {  	_ =	shalt  }
0x75: {  	_ =	shalt  }
0x76: {  	_ =	shalt  }
0x77: {  	_ =	shalt  }
0x78: {  	_ =	shalt  }
0x79: {  	_ =	shalt  }
0x7a: {  	_ =	shalt  }
0x7b: {  	_ =	shalt  }
0x7c: {  	_ =	shalt  }
0x7d: {  	_ =	shalt  }
0x7e: {  	_ =	shalt  }
0x7f: {  	_ =	shalt  }
0x80: {  	_ =	shalt  }
0x81: {  	_ =	shalt  }
0x82: {  	_ =	shalt  }
0x83: {  	_ =	shalt  }
0x84: {  	_ =	shalt  }
0x85: {  	_ =	shalt  }
0x86: {  	_ =	shalt  }
0x87: {  	_ =	shalt  }
.Lfunc_end0:
.L_simem_size_0:
called_computation_lowered:
.L_overlay_start_0:
0x88: {  	s2 =	sld [smem:$0x3FD9]  }
0x89: {  	s3 =	sld [smem:$0x3FFE];
	_ =	sdelay $0x1  }
0x8a: {  	s1 =	srdreg.scid  }
0x8b: {  	s0 =	sand.u32 $0x1, s1  }
0x8c: {  	s17 =	sshll.u32 s0, $0xA;
	s2 =	sadd.s32 s3, s2  }
0x8d: {  	s2 =	sadd.s32 s2, s17  }
0x8e: {  	[smem:$0x3FC6] =	sst s2  }
0x8f: {  	_ = 	snop  }
0x90: {  	(tm) =	ssettm $0x1  }
0x91: {  	s18 =	sld [smem:$0x3FFB];
	_ =	sdelay $0x3  }
0x92: {  	_ =	strace s18  }
0x93: {  	s2 =	sld [smem:$0x3FFC];
	_ =	sdelay $0x3  }
0x94: {  	_ =	strace s2  }
0x95: {  	s2 =	sld [smem:$0x3FFD];
	_ =	sdelay $0x3  }
0x96: {  	_ =	strace s2  }
0x97: {  	_ =	strace $0x8FFFFFFF  }
0x98: {  	s19 =	sld [smem:$0x3FDB];
	_ =	sdelay $0x1  }
0x99: {  	s20 =	simm.s32 $_scs_section_size  }
0x9a: {  	s4 =	simm.s32 $_size__tile_overlayer_lowered;
	s5 =	simm.s32 $_tile_overlayer_lowered  }
0x9b: {  	s6 =	simm.s32 $0x1BFF;
	s21 =	sshll.u32 s5, $0x1;
	s3 =	sadd.s32 s20, s19  }
0x9c: {  	s22 =	simm.s32 $0x0;
	s4 =	sshll.u32 s4, $0x1;
	s5 =	sadd.s32 s21, s3  }
0x9d: {  	[timem:s22], [sflag:s6] =	dma.local [hbm:s5], s4  }
0x9e: {  	_ =	swait.ge [sflag:s6], s4  }
0x9f: {  	s4 =	ssub.s32 $0x0, s4;
	[sflag:s6] =	ssyncset.done $0x0  }
0xa0: {  	[sflag:s6] =	ssyncadd.s32 s4;
	_ =	sdelay $0x1  }
0xa1: {  	s23 =	simm.s32 $0x1B8B  }
0xa2: {  	_ =	swait.ge [sflag:s23], $0x1  }
0xa3: {  	[sflag:s23] =	ssyncset.done $0x0  }
0xa4: {  	[sflag:s23] =	ssyncadd.s32 $0xFFFFFFFF  }
0xa5: {  	s4 =	sld [smem:$0x0]  }
0xa6: {  	s5 =	sand.u32 $0xFFFFFFFE, s1  }
0xa7: {  	p0 =	sne.s32 s1, s5  }
0xa8: {  	s5 =	sshll.u32 @p0 s5, $0xE  }
0xa9: {  	s5 =	sadd.s32 @p0 $0x11B8D, s5;
	s6 =	sshll.u32 @p0 s4, $0x11  }
0xaa: {  	s5 =	sor.u32 @p0 s6, s5  }
0xab: {  	[sflag:s5] =	ssyncadd.remote.s32 @p0 $0x1;
	_ =	sdelay $0x1  }
0xac: {  	s5 =	simm.s32 @p0 $0x1B8D  }
0xad: {  	_ =	swait.eq @p0 [sflag:s5], $0x1  }
0xae: {  	[sflag:s5] =	ssyncadd.s32 @p0 $0xFFFFFFFF  }
0xaf: {  	s6 =	sshll.u32 @!p0 s1, $0xE  }
0xb0: {  	s6 =	sor.u32 @!p0 $0x4000, s6;
	s5 =	simm.s32 @!p0 $0x1B8D  }
0xb1: {  	s4 =	sshll.u32 @!p0 s4, $0x11;
	s6 =	sadd.s32 @!p0 $0x11B8D, s6;
	_ =	swait.eq @!p0 [sflag:s5], $0x1  }
0xb2: {  	s4 =	sor.u32 @!p0 s4, s6;
	[sflag:s5] =	ssyncadd.s32 @!p0 $0xFFFFFFFF  }
0xb3: {  	s25 =	simm.s32 $0x1B8E;
	s24 =	sld [smem:$0x3FFE];
	[sflag:s4] =	ssyncadd.remote.s32 @!p0 $0x1  }
0xb4: {  	s26 =	simm.s32 $execute0_lowered;
	[smem:$0x3FD2] =	sst s25  }
0xb5: {  	s5 =	sshll.u32 s26, $0x1;
	_ =	strace $0x80000049;
	[dreg:$0x1] =	wrdreg $0xFFFFFFFF  }
0xb6: {  	s28 =	simm.s32 $_size_execute0_lowered;
	s3 =	sadd.s32 s3, s5;
	[dreg:$0x0] =	wrdreg $0x0  }
0xb7: {  	s5 =	sshll.u32 s28, $0x1;
	[dreg:$0x2] =	wrdreg s3  }
0xb8: {  	[dreg:$0x3] =	wrdreg s5  }
0xb9: {  	[dreg:$0x4] =	wrdreg $0xC0  }
0xba: {  	_ =	task [dreg:s22], $0x5FFFF  }
0xbb: {  	[dreg:$0x1] =	wrdreg $0xFFFFFFFF  }
0xbc: {  	[dreg:$0x0] =	wrdreg $0x60  }
0xbd: {  	[dreg:$0x2] =	wrdreg s24  }
0xbe: {  	[dreg:$0x3] =	wrdreg $0x9  }
0xbf: {  	_ =	task.clear_ibuf [dreg:s22], $0x4FFFF;
	_ =	strace $0x90000049  }
0xc0: {  	s29 =	simm.s32 $0x9;
	_ =	strace $0x8000004B  }
0xc1: {  	_ =	swait.ge [sflag:s29], $0x1  }
0xc2: {  	[sflag:s29] =	ssyncadd.s32 $0xFFFFFFFF  }
0xc3: {  	_ =	strace $0x9000004B  }
0xc4: {  	_ =	sfence  }
0xc5: {  	s30 =	sld [smem:$0x0];
	_ =	sdelay $0x2  }
0xc6: {  	s31 =	sshll.u32 s1, $0xD;
	s1 =	sshrl.u32 s1, $0x2  }
0xc7: {  	s4 =	sand.u32 $0x4000, s31;
	s1 =	sadd.s32 s1, s30  }
0xc8: {  	s0 =	sor.u32 s4, s0;
	s1 =	sshll.u32 s1, $0x11  }
0xc9: {  	s0 =	sor.u32 s1, s0  }
0xca: {  	s0 =	sadd.s32 $0x8F2B, s0  }
0xcb: {  	[sflag:s0] =	ssyncadd.remote.s32 $0x1  }
0xcc: {  	_ =	sfence.sel $0xFFFF  }
0xcd: {  	[dreg:$0x0] =	wrdreg $0xFFFFFFFF;
	(pc) =	sbr.abs _section_cstart, $3  }
0xce: {  	[dreg:$0x1] =	wrdreg $0xFFFFFFFF  }
0xcf: {  	_ =	task.clear_ibuf [dreg:s22], $0x2FFFF;
	_ =	strace $0x9FFFFFFF  }
0xd0: {  	(tm) =	ssettm $0x7FFFFFFF  }
0xd1: {  	_ =	shalt  }
tec
execute0_lowered:
.L_overlay_start_1:
0x0: {  	(tag) =	ssettag $0x1  }
0x1: {  	s7 =	rddreg [dreg:$0x0]  }
0x2: {  	s0 =	rddreg [dreg:$0x1];
	_ =	strace $0x8000004A  }
0x3: {  	s1 =	srdreg.scid;
	s4 =	simm.s32 $0x1;
	s9 =	simm.s32 $0x3  }
0x4: {  	s11 =	simm.s32 $0x0;
	p0 =	por $0x0, $0x0;
	s5 =	sshll.u32 s1, $0x4  }
.Ltmp0:
0x5: {  	s1 =	stileid.u32;
	s5 =	sand.u32 $0x10, s5;
	(pc) =	sbr.rel .LBB2_1-.Ltmp0, $4  }
0x6: {  	s2 =	sadd.s32 $0x80A00, s7;
	s3 =	sadd.s32 $0xC0A00, s7;
	s6 =	sor.u32 s1, s5  }
0x7: {  	[sflag:s4] =	ssyncpa.u1 $0x0;
	s5 =	simm.s32 $0x2;
	s6 =	sshll.u32 s6, $0x9  }
0x8: {  	s7 =	sadd.s32 $0xC1200, s7;
	[sflag:s5] =	ssyncpa.u1 $0x0;
	s8 =	sadd.s32 $0x200, s6  }
0x9: {  	vm0 =	vmmov $0xff;
	vm1 =	vcmask $0x3F20;
	[sflag:s9] =	ssyncpa.u1 $0x0;
	s10 =	smov.u32 s6;
	s9 =	simm.s32 $0x0  }
.LBB2_7:
0xa: {  	p1 =	slt.u32 s9, $0x2;
	s11 =	sadd.s32 $0x100, s10  }
0xb: {  	s13 =	smov.u32 s6;
	s9 =	sadd.s32 $0x1, s9;
	p2 =	slt.s32 s11, s8  }
0xc: {  	s13 =	smov.u32 @p2 s11;
	p2 =	sne.s32 s9, $0x4  }
.Ltmp1:
0xd: {  	_ = 	snop;
	(pc) =	sbr.rel @!p2 .LBB2_8-.Ltmp1, $4  }
0xe: {  	s12 =	simm.s32 @!p1 $0x3  }
0xf: {  	_ =	swait.ge @!p1 [sflag:s12], $0x8000  }
0x10: {  	p0 =	por !p0, !p0;
	[sflag:s12] =	ssyncset.done @!p1 $0x0  }
0x11: {  	s11 =	smov.u32 s10;
	s10 =	smov.u32 s13;
	[sflag:s12] =	ssyncadd.s32 @!p1 $0xFFFF8000  }
.LBB2_1:
0x12: {  	p1 =	sgt.u32 s9, $0x1  }
0x13: {  	s12 =	sshll.u32 @!p1 s9, $0x8;
	s13 =	sshrl.u32 @!p1 s10, $0x3  }
0x14: {  	s14 =	sand.u32 @!p1 $0x7, s10;
	s12 =	sxor.u32 @!p1 $0x100, s12;
	s13 =	sadd.s32 @!p1 s3, s13  }
0x15: {  	[tilespmem:s12], [sflag:$0x2] =	stream.linear.gather @!p1 [hbm4b:s13+s14], $0x100, $0x38;
	[tilespmem:$0x10200] =	vst v63  }
0x16: {  	p1 =	seq.s32 s9, $0x0  }
0x17: {  	p2 =	seq.s32 @!p1 s9, $0x3  }
0x18: {  	p1 =	por p1, p2  }
.Ltmp2:
0x19: {  	_ = 	snop;
	(pc) =	sbr.rel @p1 .LBB2_7-.Ltmp2, $1  }
0x1a: {  	_ =	sdelay $0x3  }
0x1b: {  	s12 =	simm.s32 $0x1  }
0x1c: {  	_ =	swait.ge [sflag:s5], $0x100;
	s12 =	simm.s32 @!p0 $0x0  }
0x1d: {  	[sflag:s5] =	ssyncset.done $0x0;
	s14 =	sshll.u32 s12, $0x8  }
0x1e: {  	[sflag:s5] =	ssyncadd.s32 $0xFFFFFF00;
	s13 =	sadd.s32 $0x0, s14  }
0x1f: {  	v0 =	vld.msk [tilespmem:s13+$0x0 ss:$0x1], $0xffff;
	_ =	sdelay $0x4  }
0x20: {  	v1 =	vshll.u32 v0, $0x5  }
0x21: {  	vm2 =	veq.s32 v0, $0x80000000;
	v0 =	vshll.u32 v0, $0x13;
	v1 =	vand.u32 $0x7FF80, v1  }
0x22: {  	v0 =	vand.u32 $0x180000, v0;
	v1 =	vsel vm2, $0xFFFFFF80, v1  }
0x23: {  	v0 =	vsel vm2, $0xFFF80000, v0;
	v2 =	vand.u32 $0xFFFFFC00, v1  }
0x24: {  	v1 =	vand.u32 $0x380, v1;
	v0 =	vadd.s32 v0, v2  }
0x25: {  	v0 =	vor.u32 v1, v0  }
0x26: {  	v0 =	vshrl.u32 v0, $0x3;
	_ =	sdelay $0x2  }
0x27: {  	s12 =	sshll.u32 s12, $0xF  }
0x28: {  	s12 =	sor.u32 $0x200, s12  }
0x29: {  	[tilespmem:s12], [sflag:$0x1] =	stream.indirect_vreg.gather [hbm:s2], $0x80, v0, vm0, $0x38;
	[tilespmem:$0x10200] =	vst v63  }
0x2a: {  	s15 =	sadd.s32 $0x10, s14;
	s13 =	sadd.s32 $0x400, s12  }
0x2b: {  	[tilespmem:s13], [sflag:$0x1] =	stream.indirect_vreg.gather [hbm:s2], $0x80, v0, vm1, $0x38;
	[tilespmem:$0x10200] =	vst v63  }
0x2c: {  	s16 =	simm.s32 $0x80;
	v0 =	vld.msk [tilespmem:s15+$0x0 ss:$0x1], $0xffff;
	s15 =	smov.u32 s12  }
.LBB2_3:
0x2d: {  	p1 =	sne.s32 s16, $0x3C0;
	_ =	sdelay $0x4  }
0x2e: {  	v1 =	vshll.u32 v0, $0x5  }
0x2f: {  	vm2 =	veq.s32 v0, $0x80000000;
	v0 =	vshll.u32 v0, $0x13;
	v1 =	vand.u32 $0x7FF80, v1  }
0x30: {  	v0 =	vand.u32 $0x180000, v0;
	v1 =	vsel vm2, $0xFFFFFF80, v1  }
0x31: {  	v0 =	vsel vm2, $0xFFF80000, v0;
	v2 =	vand.u32 $0xFFFFFC00, v1  }
0x32: {  	v1 =	vand.u32 $0x380, v1;
	v0 =	vadd.s32 v0, v2  }
0x33: {  	v0 =	vor.u32 v1, v0  }
0x34: {  	v0 =	vshrl.u32 v0, $0x3;
	_ =	sdelay $0x3  }
.Ltmp3:
0x35: {  	s17 =	sshra.s32 s16, $0x2;
	s15 =	sadd.s32 $0x800, s15;
	(pc) =	sbr.rel @p1 .LBB2_3-.Ltmp3, $4  }
0x36: {  	[tilespmem:s15], [sflag:$0x1] =	stream.indirect_vreg.gather [hbm:s2], $0x80, v0, vm0, $0x38;
	[tilespmem:$0x10200] =	vst v63  }
0x37: {  	s17 =	sadd.s32 s17, s14;
	s18 =	sadd.s32 $0x400, s15  }
0x38: {  	[tilespmem:s18], [sflag:$0x1] =	stream.indirect_vreg.gather [hbm:s2], $0x80, v0, vm1, $0x38;
	[tilespmem:$0x10200] =	vst v63  }
0x39: {  	s16 =	sadd.s32 $0x40, s16;
	v0 =	vld.msk [tilespmem:s17+$0x0 ss:$0x1], $0xffff  }
0x3a: {  	_ =	sdelay $0x3  }
0x3b: {  	v1 =	vshll.u32 v0, $0x5  }
0x3c: {  	vm2 =	veq.s32 v0, $0x80000000;
	v63 =	vshll.u32 v0, $0x13;
	v1 =	vand.u32 $0x7FF80, v1  }
0x3d: {  	v0 =	vand.u32 $0x180000, v63;
	v1 =	vsel vm2, $0xFFFFFF80, v1  }
0x3e: {  	v0 =	vsel vm2, $0xFFF80000, v0;
	v2 =	vand.u32 $0xFFFFFC00, v1  }
0x3f: {  	v1 =	vand.u32 $0x380, v1;
	v0 =	vadd.s32 v0, v2  }
0x40: {  	v0 =	vor.u32 v1, v0  }
0x41: {  	v0 =	vshrl.u32 v0, $0x3;
	_ =	sdelay $0x3  }
0x42: {  	s14 =	sadd.s32 $0x800, s15  }
0x43: {  	[tilespmem:s14], [sflag:$0x1] =	stream.indirect_vreg.gather [hbm:s2], $0x80, v0, vm0, $0x38;
	[tilespmem:$0x10200] =	vst v63  }
0x44: {  	s14 =	sadd.s32 $0x400, s14  }
0x45: {  	[tilespmem:s14], [sflag:$0x1] =	stream.indirect_vreg.gather [hbm:s2], $0x80, v0, vm1, $0x38;
	[tilespmem:$0x10200] =	vst v63  }
0x46: {  	s11 =	sshll.u32 s11, $0x4;
	_ =	swait.ge [sflag:s4], $0x8000  }
0x47: {  	s11 =	sadd.s32 s11, s7;
	[sflag:s4] =	ssyncset.done $0x0  }
0x48: {  	s15 =	sadd.s32 $0x0, s11;
	s14 =	simm.s32 $0x80;
	[sflag:s4] =	ssyncadd.s32 $0xFFFF8000  }
.LBB2_5:
0x49: {  	[hbm:s15] =	stream.linear.scatter [tilespmem:s12], [sflag:$0x3], $0x400, $0x38;
	[tilespmem:$0x10200] =	vst v63  }
0x4a: {  	s15 =	smov.u32 s14;
	s12 =	smov.u32 s13;
	p1 =	sne.s32 s14, $0xF80  }
.Ltmp4:
0x4b: {  	s14 =	sadd.s32 $0x80, s14;
	(pc) =	sbr.rel @p1 .LBB2_5-.Ltmp4, $2  }
0x4c: {  	_ =	sdelay $0x2  }
0x4d: {  	s13 =	sadd.s32 $0x400, s13;
	s15 =	sadd.s32 s15, s11  }
.Ltmp5:
0x4e: {  	(pc) =	sbr.rel .LBB2_7-.Ltmp5, $2  }
0x4f: {  	_ =	sdelay $0x2  }
0x50: {  	[hbm:s15] =	stream.linear.scatter [tilespmem:s12], [sflag:$0x3], $0x400, $0x38;
	[tilespmem:$0x10200] =	vst v63  }
.LBB2_8:
0x51: {  	_ =	sfence.sel $0x180000  }
0x52: {  	s2 =	simm.s32 $0x2;
	[bflag:$0x0] =	sbarrier.arrive $0xFFFF  }
0x53: {  	s30 =	simm.s32 $0x3;
	[sflag:s2] =	ssyncpa.u1 $0x1  }
0x54: {  	s31 =	simm.s32 $0x1;
	[sflag:s30] =	ssyncpa.u1 $0x1  }
0x55: {  	[sflag:s31] =	ssyncpa.u1 $0x1  }
0x56: {  	p0 =	sne.s32 s1, $0x0;
	_ =	strace $0x9000004A  }
0x57: {  	s0 =	sadd.s32 @!p0 $0x100000, s0;
	[bflag:$0x2] =	sbarrier.arrive $0xFFFF  }
0x58: {  	[sflag:s0] =	ssyncadd.tile.s32 @!p0 $0x1;
	_ =	shalt  }
.Lfunc_end2:
_tile_overlayer_lowered:
.L_overlay_start_2:
0x59: {  	(tag) =	ssettag $0x2  }
0x5a: {  	s0 =	rddreg [dreg:$0x0];
	s2 =	stileid.u32  }
0x5b: {  	s1 =	rddreg [dreg:$0x1];
	p0 =	sne.s32 s2, $0x0  }
0x5c: {  	s3 =	rddreg [dreg:$0x2];
	[bflag:$0x3] =	sbarrier.arrive $0xFFFF;
	s2 =	simm.s32 @!p0 $0x1C01  }
0x5d: {  	[timem:s3], [sflag:s2] =	dma.local @!p0 [hbm:s0], s1  }
0x5e: {  	s0 =	simm.s32 @!p0 $0x1  }
0x5f: {  	_ =	swait.ge @!p0 [sflag:s0], s1  }
0x60: {  	s1 =	ssub.s32 @!p0 $0x0, s1;
	[sflag:s0] =	ssyncset.done @!p0 $0x0  }
0x61: {  	[sflag:s0] =	ssyncadd.s32 @!p0 s1  }
0x62: {  	[bflag:$0x3] =	sbarrier.arrive $0xFFFF  }
0x63: {  	_ =	shalt  }

</sc_bundles>
